<compile_context>
chip_gen: v7x
topology: tpu7x:2x2x1
jax: 0.10.2.dev20260603
libtpu: 0.0.44.dev20260713+nightly
codegen_flags: <defaults>
</compile_context>

<pallas_src>
import functools

import jax
import jax.numpy as jnp
from jax import lax
from jax.experimental import pallas as pl
from jax.experimental.pallas import tpu as pltpu
from jax.experimental.pallas import tpu_sc as plsc

NUM_CASCADES = 5
N_CELLS = 2097152
N_SAMPLES = 1048576
DECAY = 0.95
TOTAL = NUM_CASCADES * N_CELLS

NW = 32
CELLS_PER_W = N_CELLS // NW
SAMP_W = N_SAMPLES // NW
SCH = 8192
N_SCH = SAMP_W // SCH
VECS = SCH // 16
SSTAGE = SAMP_W + NW * 16
WREG = SSTAGE + 1024
CHV = 1024

ROWS = 80
COLS = TOTAL // ROWS
BLK_R = 8

_MESH = plsc.VectorSubcoreMesh(
    core_axis_name="c", subcore_axis_name="s", num_cores=2, num_subcores=16)
_PARAMS = pltpu.CompilerParams(needs_layout_passes=False)


def _wid():
    return lax.axis_index("s") * 2 + lax.axis_index("c")


def _prep_body(i_ref, d_ref, io_ref, do_ref):
    io_ref[...] = i_ref[...].reshape(NUM_CASCADES, 128, 128)
    do_ref[...] = d_ref[...].reshape(NUM_CASCADES, 128, 128)


_prep = pl.pallas_call(
    _prep_body,
    grid=(64,),
    in_specs=[
        pl.BlockSpec((NUM_CASCADES, 16384), lambda j: (0, j)),
        pl.BlockSpec((NUM_CASCADES, 16384), lambda j: (0, j)),
    ],
    out_specs=[
        pl.BlockSpec((NUM_CASCADES, 128, 128), lambda j: (0, j, 0)),
        pl.BlockSpec((NUM_CASCADES, 128, 128), lambda j: (0, j, 0)),
    ],
    out_shape=[
        jax.ShapeDtypeStruct((NUM_CASCADES, N_SAMPLES // 128, 128),
                             jnp.int32),
        jax.ShapeDtypeStruct((NUM_CASCADES, N_SAMPLES // 128, 128),
                             jnp.float32),
    ],
)


def _rk_body(idx_hbm, den_hbm, bidx_hbm, bd_hbm, lst_hbm, lcnt_hbm,
             idx_f, d_v, h16_v, cnt_v, lex_v, lcur_v, sidx_v, sdv_v, rsem):
    wid = _wid()
    lane = lax.iota(jnp.int32, 16)
    prv = jnp.maximum(lane - 1, 0)
    nxt = jnp.minimum(lane + 1, 15)
    first = lane == 0
    last = lane == 15
    zeros = jnp.zeros((16,), jnp.int32)
    ones = jnp.ones((16,), jnp.int32)

    def cascade(c, carry):
        for j in range(32):
            h16_v[pl.ds(j * 16, 16)] = zeros
        base_r = (wid * SAMP_W) >> 7
        cps = [pltpu.async_copy(
            idx_hbm.at[c, pl.ds(pl.multiple_of(
                base_r + k * (SCH >> 7), 8), SCH >> 7), :],
            idx_f.at[pl.ds(k * (SCH >> 7), SCH >> 7), :], rsem)
            for k in range(N_SCH)]
        for cp in cps:
            cp.wait()

        def hvec(v8, carry):
            for u in range(8):
                iv = idx_f[v8, pl.ds(u * 16, 16)]
                plsc.addupdate_scatter(h16_v, [(lane << 5) | (iv >> 16)],
                                       ones)
            return carry

        lax.fori_loop(0, SAMP_W // 128, hvec, 0)

        cnts = []
        for j in range(2):
            acc = zeros
            for l in range(16):
                acc = acc + h16_v[pl.ds(l * 32 + j * 16, 16)]
            cnts.append(acc)
        pad0 = (cnts[0] + 15) & (-16)
        pad1 = (cnts[1] + 15) & (-16)
        incl0 = plsc.cumsum(pad0)
        excl0 = incl0 - pad0
        excl1 = plsc.cumsum(pad1) - pad1 + jnp.max(incl0)
        cnt_v[pl.ds(0, 16)] = cnts[0]
        cnt_v[pl.ds(16, 16)] = cnts[1]
        lex_v[pl.ds(0, 16)] = excl0
        lex_v[pl.ds(16, 16)] = excl1
        lcur_v[pl.ds(0, 16)] = excl0
        lcur_v[pl.ds(16, 16)] = excl1
        toff = c * 1024 + wid * 32
        pltpu.sync_copy(cnt_v, lcnt_hbm.at[pl.ds(toff, 32)])
        pltpu.sync_copy(lex_v, lst_hbm.at[pl.ds(toff, 32)])

        def chunk(k, carry):
            pltpu.sync_copy(
                den_hbm.at[c, pl.ds(pl.multiple_of(
                    base_r + k * (SCH >> 7), 8), SCH >> 7), :],
                d_v)

            def vec(v2, carry):
                for u in range(2):
                    v = v2 * 2 + u
                    g = k * VECS + v
                    iv = idx_f[g >> 3, pl.ds((g & 7) * 16, 16)]
                    dv = d_v[v >> 3, pl.ds((v & 7) * 16, 16)]
                    key = ((iv >> 16) << 4) | lane
                    sk, slane = plsc.sort_key_val(key, lane)
                    so = sk >> 4
                    iv_p = iv.at[slane].get(mode="promise_in_bounds")
                    dv_p = dv.at[slane].get(mode="promise_in_bounds")
                    so_prev = so.at[prv].get(mode="promise_in_bounds")
                    is_start = (so != so_prev) | first
                    start_pos = plsc.cummax(jnp.where(is_start, lane, 0))
                    rank = lane - start_pos
                    bse = plsc.load_gather(lcur_v, [so])
                    so_next = so.at[nxt].get(mode="promise_in_bounds")
                    islast = (so != so_next) | last
                    plsc.addupdate_scatter(lcur_v, [so], rank + 1,
                                           mask=islast)
                    dest = bse + rank
                    plsc.store_scatter(sidx_v, [dest], iv_p)
                    plsc.store_scatter(sdv_v, [dest], dv_p)
                return carry

            return lax.fori_loop(0, VECS // 2, vec, carry)

        lax.fori_loop(0, N_SCH, chunk, 0)
        roff = pl.multiple_of((c * NW + wid) * WREG, 16)
        cpa = pltpu.async_copy(sidx_v, bidx_hbm.at[pl.ds(roff, SSTAGE)], rsem)
        cpb = pltpu.async_copy(sdv_v, bd_hbm.at[pl.ds(roff, SSTAGE)], rsem)
        cpa.wait()
        cpb.wait()
        return carry

    lax.fori_loop(0, NUM_CASCADES, cascade, 0)


_rk = functools.partial(
    pl.kernel,
    out_type=(jax.ShapeDtypeStruct((NUM_CASCADES * NW * WREG,), jnp.int32),
              jax.ShapeDtypeStruct((NUM_CASCADES * NW * WREG,), jnp.float32),
              jax.ShapeDtypeStruct((NUM_CASCADES * 1024,), jnp.int32),
              jax.ShapeDtypeStruct((NUM_CASCADES * 1024,), jnp.int32)),
    mesh=_MESH,
    compiler_params=_PARAMS,
    scratch_types=[
        pltpu.VMEM((SAMP_W // 128, 128), jnp.int32),
        pltpu.VMEM((SCH // 128, 128), jnp.float32),
        pltpu.VMEM((512,), jnp.int32),
        pltpu.VMEM((32,), jnp.int32),
        pltpu.VMEM((32,), jnp.int32),
        pltpu.VMEM((32,), jnp.int32),
        pltpu.VMEM((SSTAGE,), jnp.int32),
        pltpu.VMEM((SSTAGE,), jnp.float32),
        pltpu.SemaphoreType.DMA,
    ],
)(_rk_body)


def _ak_body(bidx_hbm, bd_hbm, lst_hbm, lcnt_hbm, tmp_hbm,
             tmp_v, ib_v, db_v, lst_v, lcnt_v, dsem):
    wid = _wid()
    lane = lax.iota(jnp.int32, 16)
    nxt = jnp.minimum(lane + 1, 15)
    last = lane == 15
    neg1 = jnp.full((16,), -1.0, jnp.float32)
    sel = lane == (wid & 15)
    jsel = (wid >> 4) * 16

    def cascade(c, carry):
        pltpu.sync_copy(lst_hbm.at[pl.ds(c * 1024, 1024)], lst_v)
        pltpu.sync_copy(lcnt_hbm.at[pl.ds(c * 1024, 1024)], lcnt_v)

        def init(j, carry):
            for u in range(8):
                tmp_v[pl.ds(j * 128 + u * 16, 16)] = neg1
            return carry

        lax.fori_loop(0, CELLS_PER_W // 128, init, 0)

        def wloop(w, carry):
            svec = lst_v[pl.ds(w * 32 + jsel, 16)]
            cvec = lcnt_v[pl.ds(w * 32 + jsel, 16)]
            lstart = jnp.sum(jnp.where(sel, svec, 0))
            lcount = jnp.sum(jnp.where(sel, cvec, 0))
            roff = (c * NW + w) * WREG + lstart

            def chunk(k, carry):
                o2 = pl.multiple_of(roff + k * CHV, 16)
                cp1 = pltpu.async_copy(bidx_hbm.at[pl.ds(o2, CHV)], ib_v,
                                       dsem)
                cp2 = pltpu.async_copy(bd_hbm.at[pl.ds(o2, CHV)], db_v, dsem)
                cp1.wait()
                cp2.wait()
                kbase = lcount - k * CHV

                def vec(v2, carry):
                    for u in range(4):
                        v = v2 * 4 + u
                        iv = ib_v[pl.ds(v * 16, 16)]
                        dv = db_v[pl.ds(v * 16, 16)]
                        valid = lane < (kbase - v * 16)
                        local = iv & 0xFFFF
                        key = jnp.where(valid, (local << 4) | lane,
                                        (1 << 20) + lane)
                        sk, sd = plsc.sort_key_val(key, dv)
                        so = sk >> 4
                        so_next = so.at[nxt].get(mode="promise_in_bounds")
                        mask = ((so != so_next) | last) & (so < CELLS_PER_W)
                        plsc.store_scatter(
                            tmp_v, [jnp.minimum(so, CELLS_PER_W - 1)], sd,
                            mask=mask)
                    return carry

                return lax.fori_loop(0, CHV // 64, vec, carry)

            nch = (lcount + CHV - 1) >> 10
            lax.fori_loop(0, nch, chunk, 0)
            return carry

        lax.fori_loop(0, NW, wloop, 0)
        pltpu.sync_copy(
            tmp_v,
            tmp_hbm.at[pl.ds(c * N_CELLS + wid * CELLS_PER_W, CELLS_PER_W)])
        return carry

    lax.fori_loop(0, NUM_CASCADES, cascade, 0)


_ak = functools.partial(
    pl.kernel,
    out_type=jax.ShapeDtypeStruct((TOTAL,), jnp.float32),
    mesh=_MESH,
    compiler_params=_PARAMS,
    scratch_types=[
        pltpu.VMEM((CELLS_PER_W,), jnp.float32),
        pltpu.VMEM((CHV,), jnp.int32),
        pltpu.VMEM((CHV,), jnp.float32),
        pltpu.VMEM((1024,), jnp.int32),
        pltpu.VMEM((1024,), jnp.int32),
        pltpu.SemaphoreType.DMA,
    ],
)(_ak_body)


def _merge_body(g_ref, t_ref, out_ref, mean_ref, acc_ref):
    i = pl.program_id(0)
    g = g_ref[...]
    t = t_ref[...]
    out = jnp.where((g >= 0.0) & (t >= 0.0), jnp.maximum(g * DECAY, t), g)
    out_ref[...] = out

    @pl.when(i == 0)
    def _():
        acc_ref[0, 0] = 0.0

    acc_ref[0, 0] += jnp.sum(out)

    @pl.when(i == pl.num_programs(0) - 1)
    def _():
        mean_ref[0, 0] = acc_ref[0, 0] / TOTAL


_merge = pl.pallas_call(
    _merge_body,
    grid=(ROWS // BLK_R,),
    in_specs=[
        pl.BlockSpec((BLK_R, COLS), lambda i: (i, 0)),
        pl.BlockSpec((BLK_R, COLS), lambda i: (i, 0)),
    ],
    out_specs=[
        pl.BlockSpec((BLK_R, COLS), lambda i: (i, 0)),
        pl.BlockSpec(memory_space=pltpu.SMEM),
    ],
    out_shape=[
        jax.ShapeDtypeStruct((ROWS, COLS), jnp.float32),
        jax.ShapeDtypeStruct((1, 1), jnp.float32),
    ],
    scratch_shapes=[pltpu.SMEM((1, 1), jnp.float32)],
)


def kernel(density_grid, indices, densities):
    idx_flat, den_flat = _prep(indices, densities)
    bidx, bd, lst, lcnt = _rk(idx_flat, den_flat)
    tmp = _ak(bidx, bd, lst, lcnt)
    upd, mean = _merge(density_grid.reshape(ROWS, COLS),
                       tmp.reshape(ROWS, COLS))
    return upd.reshape(NUM_CASCADES, N_CELLS), mean.reshape(())

# --- scband reference (transcript-rebuilt; emitter-appended) ---
"""Pipeline reference for scband-density-grid-10110353015308 (READ-ONLY COPY).

The authoritative reference and input builder live on the scoring server;
editing this copy changes nothing except your own understanding.
"""

import jax, jax.numpy as jnp
import numpy as np

NUM_CASCADES = 5
RESOLUTION = 128
N_CELLS = RESOLUTION ** 3  # 2097152
N_SAMPLES = 1048576
DECAY = 0.95


def setup_inputs(seed: int = 0) -> dict:
    key = jax.random.key(seed)
    k1, k2, k3 = jax.random.split(key, 3)
    # density_grid buffer: nonnegative densities stored from previous updates
    density_grid = jax.random.uniform(k1, (NUM_CASCADES, N_CELLS), dtype=jnp.float32)
    # morton-order cell indices sampled per cascade (uniform + occupied)
    indices = jax.random.randint(k2, (NUM_CASCADES, N_SAMPLES), 0, N_CELLS, dtype=jnp.int32)
    # densities evaluated by density_eval_func at the jittered cell positions
    densities = jax.random.uniform(k3, (NUM_CASCADES, N_SAMPLES), dtype=jnp.float32)
    return {"density_grid": density_grid, "indices": indices, "densities": densities}


def reference(density_grid, indices, densities):
    # Faithful translation of DensityGrid.update_density_grid inner loop (step >= 256 path):
    #   tmp_grid = -ones_like(density_grid)
    #   tmp_grid[mip_level, indices] = density_eval_func(x)
    #   valid_mask = (density_grid >= 0) & (tmp_grid >= 0)
    #   density_grid[valid_mask] = max(density_grid[valid_mask] * decay, tmp_grid[valid_mask])
    #   mean_density = density_grid.mean()
    tmp_grid = jnp.full_like(density_grid, -1.0)
    rows = jnp.arange(NUM_CASCADES, dtype=indices.dtype)[:, None]
    tmp_grid = tmp_grid.at[rows, indices].set(densities)  # scatter-overwrite
    valid_mask = (density_grid >= 0) & (tmp_grid >= 0)
    updated_grid = jnp.where(
        valid_mask,
        jnp.maximum(density_grid * DECAY, tmp_grid),
        density_grid,
    )
    mean_density = updated_grid.mean()
    return (updated_grid, mean_density)

if __name__ == "__main__":
    import jax
    _d = setup_inputs()
    print(jax.jit(kernel)(*tuple(_d.values())))

</pallas_src>

<mosaic_0001>
#map = affine_map<(d0, d1) -> (0)>
module attributes {stable_mosaic.version = 14 : i64} {
  func.func @_ak_body(%arg0: i32, %arg1: i32, %arg2: memref<5488640xi32, #tpu.memory_space<hbm>>, %arg3: memref<5488640xf32, #tpu.memory_space<hbm>>, %arg4: memref<5120xi32, #tpu.memory_space<hbm>>, %arg5: memref<5120xi32, #tpu.memory_space<hbm>>, %arg6: memref<10485760xf32, #tpu.memory_space<hbm>>, %arg7: memref<65536xf32, #tpu.memory_space<vmem>>, %arg8: memref<1024xi32, #tpu.memory_space<vmem>>, %arg9: memref<1024xf32, #tpu.memory_space<vmem>>, %arg10: memref<1024xi32, #tpu.memory_space<vmem>>, %arg11: memref<1024xi32, #tpu.memory_space<vmem>>, %arg12: memref<!tpu.dma_semaphore, #tpu.memory_space<semaphore_mem>>) attributes {dimension_semantics = [#tpu.dimension_semantics<core_parallel>, #tpu.dimension_semantics<subcore_parallel>], iteration_bounds = array<i64: 2, 16>, scalar_prefetch = 0 : i64, scratch_operands = 6 : i64, tpu.core_type = #tpu.core_type<sc_vector_subcore>, window_params = [{transform_indices = #map}, {transform_indices = #map}, {transform_indices = #map}, {transform_indices = #map}, {transform_indices = #map}]} {
    %mul3A = arith.constant 2 : i32
    %mul3A_0 = arith.muli %arg1, %mul3A : i32
    %add3A = arith.addi %mul3A_0, %arg0 : i32
    %iota3A = tpu.iota {dimensions = array<i32: 0>} : vector<16xi32>
    %add3A_1 = arith.constant 1 : i32
    %add3A_2 = vector.broadcast %add3A_1 : i32 to vector<16xi32>
    %add3A_3 = arith.addi %iota3A, %add3A_2 : vector<16xi32>
    %min3A = arith.constant 15 : i32
    %min3A_4 = vector.broadcast %min3A : i32 to vector<16xi32>
    %min3A_5 = arith.minsi %add3A_3, %min3A_4 : vector<16xi32>
    %eq3A = arith.constant 15 : i32
    %eq3A_6 = vector.broadcast %eq3A : i32 to vector<16xi32>
    %eq3A_7 = arith.cmpi eq, %iota3A, %eq3A_6 : vector<16xi32>
    %broadcast_in_dim3A = arith.constant -1.000000e+00 : f32
    %broadcast_in_dim3A_8 = vector.broadcast %broadcast_in_dim3A : f32 to vector<16xf32>
    %and3A = arith.constant 15 : i32
    %and3A_9 = arith.andi %add3A, %and3A : i32
    %eq3A_10 = vector.broadcast %and3A_9 : i32 to vector<16xi32>
    %eq3A_11 = arith.cmpi eq, %iota3A, %eq3A_10 : vector<16xi32>
    %shift_right_arithmetic3A = arith.constant 4 : i32
    %shift_right_arithmetic3A_12 = arith.shrsi %add3A, %shift_right_arithmetic3A : i32
    %mul3A_13 = arith.constant 16 : i32
    %mul3A_14 = arith.muli %shift_right_arithmetic3A_12, %mul3A_13 : i32
    %scan3A = arith.constant 0 : i32
    %scan3A_15 = arith.constant 0 : i32
    %scan3A_16 = arith.constant 5 : i32
    %scan3A_17 = arith.addi %scan3A_15, %scan3A_16 : i32
    %scan3A_18 = arith.constant 1 : i32
    scf.for %scan3A_20 = %scan3A_15 to %scan3A_17 step %scan3A_18  : i32 {
      %mul3A_21 = arith.constant 1024 : i32
      %mul3A_22 = arith.muli %scan3A_20, %mul3A_21 : i32
      "tpu.region"() ({
        %run_scoped3A = tpu.sem_alloc : memref<!tpu.dma_semaphore, #tpu.memory_space<semaphore_mem>>
        %dma_start3A = tpu.memref_slice %arg4[%mul3A_22] : memref<5120xi32, #tpu.memory_space<hbm>> -> memref<1024xi32, #tpu.memory_space<hbm>>
        %dma_start3A_42 = tpu.memref_slice %arg4[%mul3A_22] : memref<5120xi32, #tpu.memory_space<hbm>> -> memref<1024xi32, #tpu.memory_space<hbm>>
        tpu.enqueue_dma source(%dma_start3A_42 : memref<1024xi32, #tpu.memory_space<hbm>>) target(%arg10 : memref<1024xi32, #tpu.memory_space<vmem>>) target_semaphore(%run_scoped3A : memref<!tpu.dma_semaphore, #tpu.memory_space<semaphore_mem>>)
        %dma_wait3A = tpu.memref_slice %arg4[%mul3A_22] : memref<5120xi32, #tpu.memory_space<hbm>> -> memref<1024xi32, #tpu.memory_space<hbm>>
        %dma_wait3A_43 = tpu.memref_slice %arg4[%mul3A_22] : memref<5120xi32, #tpu.memory_space<hbm>> -> memref<1024xi32, #tpu.memory_space<hbm>>
        tpu.wait_dma2 semaphore(%run_scoped3A : memref<!tpu.dma_semaphore, #tpu.memory_space<semaphore_mem>>) src(%dma_wait3A_43 : memref<1024xi32, #tpu.memory_space<hbm>>) dst(%arg10 : memref<1024xi32, #tpu.memory_space<vmem>>)
        tpu.yield
      }) : () -> ()
      %mul3A_23 = arith.constant 1024 : i32
      %mul3A_24 = arith.muli %scan3A_20, %mul3A_23 : i32
      "tpu.region"() ({
        %run_scoped3A = tpu.sem_alloc : memref<!tpu.dma_semaphore, #tpu.memory_space<semaphore_mem>>
        %dma_start3A = tpu.memref_slice %arg5[%mul3A_24] : memref<5120xi32, #tpu.memory_space<hbm>> -> memref<1024xi32, #tpu.memory_space<hbm>>
        %dma_start3A_42 = tpu.memref_slice %arg5[%mul3A_24] : memref<5120xi32, #tpu.memory_space<hbm>> -> memref<1024xi32, #tpu.memory_space<hbm>>
        tpu.enqueue_dma source(%dma_start3A_42 : memref<1024xi32, #tpu.memory_space<hbm>>) target(%arg11 : memref<1024xi32, #tpu.memory_space<vmem>>) target_semaphore(%run_scoped3A : memref<!tpu.dma_semaphore, #tpu.memory_space<semaphore_mem>>)
        %dma_wait3A = tpu.memref_slice %arg5[%mul3A_24] : memref<5120xi32, #tpu.memory_space<hbm>> -> memref<1024xi32, #tpu.memory_space<hbm>>
        %dma_wait3A_43 = tpu.memref_slice %arg5[%mul3A_24] : memref<5120xi32, #tpu.memory_space<hbm>> -> memref<1024xi32, #tpu.memory_space<hbm>>
        tpu.wait_dma2 semaphore(%run_scoped3A : memref<!tpu.dma_semaphore, #tpu.memory_space<semaphore_mem>>) src(%dma_wait3A_43 : memref<1024xi32, #tpu.memory_space<hbm>>) dst(%arg11 : memref<1024xi32, #tpu.memory_space<vmem>>)
        tpu.yield
      }) : () -> ()
      %scan3A_25 = arith.constant 0 : i32
      %scan3A_26 = arith.constant 0 : i32
      %scan3A_27 = arith.constant 512 : i32
      %scan3A_28 = arith.addi %scan3A_26, %scan3A_27 : i32
      %scan3A_29 = arith.constant 1 : i32
      scf.for %scan3A_42 = %scan3A_26 to %scan3A_28 step %scan3A_29  : i32 {
        %mul3A_43 = arith.constant 128 : i32
        %mul3A_44 = arith.muli %scan3A_42, %mul3A_43 : i32
        %add3A_45 = arith.constant 0 : i32
        %add3A_46 = arith.addi %mul3A_44, %add3A_45 : i32
        %swap3A = arith.index_cast %add3A_46 : i32 to index
        %swap3A_47 = tpu.vector_load %arg7[%swap3A] {strides = array<i32>} : memref<65536xf32, #tpu.memory_space<vmem>>, vector<16xf32>,
        tpu.vector_store %arg7[%swap3A], %broadcast_in_dim3A_8 {strides = array<i32>} : memref<65536xf32, #tpu.memory_space<vmem>>, vector<16xf32>,
        %mul3A_48 = arith.constant 128 : i32
        %mul3A_49 = arith.muli %scan3A_42, %mul3A_48 : i32
        %add3A_50 = arith.constant 16 : i32
        %add3A_51 = arith.addi %mul3A_49, %add3A_50 : i32
        %swap3A_52 = arith.index_cast %add3A_51 : i32 to index
        %swap3A_53 = tpu.vector_load %arg7[%swap3A_52] {strides = array<i32>} : memref<65536xf32, #tpu.memory_space<vmem>>, vector<16xf32>,
        tpu.vector_store %arg7[%swap3A_52], %broadcast_in_dim3A_8 {strides = array<i32>} : memref<65536xf32, #tpu.memory_space<vmem>>, vector<16xf32>,
        %mul3A_54 = arith.constant 128 : i32
        %mul3A_55 = arith.muli %scan3A_42, %mul3A_54 : i32
        %add3A_56 = arith.constant 32 : i32
        %add3A_57 = arith.addi %mul3A_55, %add3A_56 : i32
        %swap3A_58 = arith.index_cast %add3A_57 : i32 to index
        %swap3A_59 = tpu.vector_load %arg7[%swap3A_58] {strides = array<i32>} : memref<65536xf32, #tpu.memory_space<vmem>>, vector<16xf32>,
        tpu.vector_store %arg7[%swap3A_58], %broadcast_in_dim3A_8 {strides = array<i32>} : memref<65536xf32, #tpu.memory_space<vmem>>, vector<16xf32>,
        %mul3A_60 = arith.constant 128 : i32
        %mul3A_61 = arith.muli %scan3A_42, %mul3A_60 : i32
        %add3A_62 = arith.constant 48 : i32
        %add3A_63 = arith.addi %mul3A_61, %add3A_62 : i32
        %swap3A_64 = arith.index_cast %add3A_63 : i32 to index
        %swap3A_65 = tpu.vector_load %arg7[%swap3A_64] {strides = array<i32>} : memref<65536xf32, #tpu.memory_space<vmem>>, vector<16xf32>,
        tpu.vector_store %arg7[%swap3A_64], %broadcast_in_dim3A_8 {strides = array<i32>} : memref<65536xf32, #tpu.memory_space<vmem>>, vector<16xf32>,
        %mul3A_66 = arith.constant 128 : i32
        %mul3A_67 = arith.muli %scan3A_42, %mul3A_66 : i32
        %add3A_68 = arith.constant 64 : i32
        %add3A_69 = arith.addi %mul3A_67, %add3A_68 : i32
        %swap3A_70 = arith.index_cast %add3A_69 : i32 to index
        %swap3A_71 = tpu.vector_load %arg7[%swap3A_70] {strides = array<i32>} : memref<65536xf32, #tpu.memory_space<vmem>>, vector<16xf32>,
        tpu.vector_store %arg7[%swap3A_70], %broadcast_in_dim3A_8 {strides = array<i32>} : memref<65536xf32, #tpu.memory_space<vmem>>, vector<16xf32>,
        %mul3A_72 = arith.constant 128 : i32
        %mul3A_73 = arith.muli %scan3A_42, %mul3A_72 : i32
        %add3A_74 = arith.constant 80 : i32
        %add3A_75 = arith.addi %mul3A_73, %add3A_74 : i32
        %swap3A_76 = arith.index_cast %add3A_75 : i32 to index
        %swap3A_77 = tpu.vector_load %arg7[%swap3A_76] {strides = array<i32>} : memref<65536xf32, #tpu.memory_space<vmem>>, vector<16xf32>,
        tpu.vector_store %arg7[%swap3A_76], %broadcast_in_dim3A_8 {strides = array<i32>} : memref<65536xf32, #tpu.memory_space<vmem>>, vector<16xf32>,
        %mul3A_78 = arith.constant 128 : i32
        %mul3A_79 = arith.muli %scan3A_42, %mul3A_78 : i32
        %add3A_80 = arith.constant 96 : i32
        %add3A_81 = arith.addi %mul3A_79, %add3A_80 : i32
        %swap3A_82 = arith.index_cast %add3A_81 : i32 to index
        %swap3A_83 = tpu.vector_load %arg7[%swap3A_82] {strides = array<i32>} : memref<65536xf32, #tpu.memory_space<vmem>>, vector<16xf32>,
        tpu.vector_store %arg7[%swap3A_82], %broadcast_in_dim3A_8 {strides = array<i32>} : memref<65536xf32, #tpu.memory_space<vmem>>, vector<16xf32>,
        %mul3A_84 = arith.constant 128 : i32
        %mul3A_85 = arith.muli %scan3A_42, %mul3A_84 : i32
        %add3A_86 = arith.constant 112 : i32
        %add3A_87 = arith.addi %mul3A_85, %add3A_86 : i32
        %swap3A_88 = arith.index_cast %add3A_87 : i32 to index
        %swap3A_89 = tpu.vector_load %arg7[%swap3A_88] {strides = array<i32>} : memref<65536xf32, #tpu.memory_space<vmem>>, vector<16xf32>,
        tpu.vector_store %arg7[%swap3A_88], %broadcast_in_dim3A_8 {strides = array<i32>} : memref<65536xf32, #tpu.memory_space<vmem>>, vector<16xf32>,
      }
      %scan3A_30 = arith.constant 512 : i32
      %scan3A_31 = arith.constant 0 : i32
      %scan3A_32 = arith.constant 0 : i32
      %scan3A_33 = arith.constant 32 : i32
      %scan3A_34 = arith.addi %scan3A_32, %scan3A_33 : i32
      %scan3A_35 = arith.constant 1 : i32
      scf.for %scan3A_42 = %scan3A_32 to %scan3A_34 step %scan3A_35  : i32 {
        %mul3A_43 = arith.constant 32 : i32
        %mul3A_44 = arith.muli %scan3A_42, %mul3A_43 : i32
        %add3A_45 = arith.addi %mul3A_44, %mul3A_14 : i32
        %get3A = arith.index_cast %add3A_45 : i32 to index
        %get3A_46 = tpu.vector_load %arg10[%get3A] {strides = array<i32>} : memref<1024xi32, #tpu.memory_space<vmem>>, vector<16xi32>,
        %mul3A_47 = arith.constant 32 : i32
        %mul3A_48 = arith.muli %scan3A_42, %mul3A_47 : i32
        %add3A_49 = arith.addi %mul3A_48, %mul3A_14 : i32
        %get3A_50 = arith.index_cast %add3A_49 : i32 to index
        %get3A_51 = tpu.vector_load %arg11[%get3A_50] {strides = array<i32>} : memref<1024xi32, #tpu.memory_space<vmem>>, vector<16xi32>,
        %jit3A = arith.constant 0 : i32
        %broadcast_in_dim3A_52 = vector.broadcast %jit3A : i32 to vector<16xi32>
        %select_n3A = arith.select %eq3A_11, %get3A_46, %broadcast_in_dim3A_52 : vector<16xi1>, vector<16xi32>
        %reduce_sum3A = arith.constant true
        %reduce_sum3A_53 = vector.broadcast %reduce_sum3A : i1 to vector<16xi1>
        %reduce_sum3A_54 = tpu.scan <sum>, %select_n3A masked %reduce_sum3A_53 : vector<16xi32>, vector<16xi1> -> vector<16xi32>
        %reduce_sum3A_55 = vector.extract %reduce_sum3A_54[15] : i32 from vector<16xi32>
        %jit3A_56 = arith.constant 0 : i32
        %broadcast_in_dim3A_57 = vector.broadcast %jit3A_56 : i32 to vector<16xi32>
        %select_n3A_58 = arith.select %eq3A_11, %get3A_51, %broadcast_in_dim3A_57 : vector<16xi1>, vector<16xi32>
        %reduce_sum3A_59 = arith.constant true
        %reduce_sum3A_60 = vector.broadcast %reduce_sum3A_59 : i1 to vector<16xi1>
        %reduce_sum3A_61 = tpu.scan <sum>, %select_n3A_58 masked %reduce_sum3A_60 : vector<16xi32>, vector<16xi1> -> vector<16xi32>
        %reduce_sum3A_62 = vector.extract %reduce_sum3A_61[15] : i32 from vector<16xi32>
        %mul3A_63 = arith.constant 32 : i32
        %mul3A_64 = arith.muli %scan3A_20, %mul3A_63 : i32
        %add3A_65 = arith.addi %mul3A_64, %scan3A_42 : i32
        %mul3A_66 = arith.constant 34304 : i32
        %mul3A_67 = arith.muli %add3A_65, %mul3A_66 : i32
        %add3A_68 = arith.addi %mul3A_67, %reduce_sum3A_55 : i32
        %add3A_69 = arith.constant 1024 : i32
        %add3A_70 = arith.addi %reduce_sum3A_62, %add3A_69 : i32
        %sub3A = arith.constant 1 : i32
        %sub3A_71 = arith.subi %add3A_70, %sub3A : i32
        %shift_right_arithmetic3A_72 = arith.constant 10 : i32
        %shift_right_arithmetic3A_73 = arith.shrsi %sub3A_71, %shift_right_arithmetic3A_72 : i32
        %while3A = arith.constant 0 : i32
        %while3A_74 = arith.constant 0 : i32
        %while3A_75 = arith.subi %shift_right_arithmetic3A_73, %while3A_74 : i32
        %while3A_76 = arith.addi %while3A_74, %while3A_75 : i32
        %while3A_77 = arith.constant 1 : i32
        %while3A_78 = arith.divsi %while3A_75, %while3A_77 : i32
        %while3A_79 = arith.muli %while3A_78, %while3A_77 : i32
        %while3A_80 = arith.addi %while3A_74, %while3A_79 : i32
        %while3A_81 = arith.constant 1 : i32
        scf.for %while3A_83 = %while3A_74 to %while3A_80 step %while3A_81  : i32 {
          %mul3A_84 = arith.constant 1024 : i32
          %mul3A_85 = arith.muli %while3A_83, %mul3A_84 : i32
          %add3A_86 = arith.addi %add3A_68, %mul3A_85 : i32
          %multiple_of3A = tpu.assume_multiple %add3A_86, 16 : i32
          %dma_start3A = tpu.memref_slice %arg2[%multiple_of3A] : memref<5488640xi32, #tpu.memory_space<hbm>> -> memref<1024xi32, #tpu.memory_space<hbm>>
          %dma_start3A_87 = tpu.memref_slice %arg2[%multiple_of3A] : memref<5488640xi32, #tpu.memory_space<hbm>> -> memref<1024xi32, #tpu.memory_space<hbm>>
          tpu.enqueue_dma source(%dma_start3A_87 : memref<1024xi32, #tpu.memory_space<hbm>>) target(%arg8 : memref<1024xi32, #tpu.memory_space<vmem>>) target_semaphore(%arg12 : memref<!tpu.dma_semaphore, #tpu.memory_space<semaphore_mem>>)
          %dma_start3A_88 = tpu.memref_slice %arg3[%multiple_of3A] : memref<5488640xf32, #tpu.memory_space<hbm>> -> memref<1024xf32, #tpu.memory_space<hbm>>
          %dma_start3A_89 = tpu.memref_slice %arg3[%multiple_of3A] : memref<5488640xf32, #tpu.memory_space<hbm>> -> memref<1024xf32, #tpu.memory_space<hbm>>
          tpu.enqueue_dma source(%dma_start3A_89 : memref<1024xf32, #tpu.memory_space<hbm>>) target(%arg9 : memref<1024xf32, #tpu.memory_space<vmem>>) target_semaphore(%arg12 : memref<!tpu.dma_semaphore, #tpu.memory_space<semaphore_mem>>)
          %dma_wait3A = tpu.memref_slice %arg2[%multiple_of3A] : memref<5488640xi32, #tpu.memory_space<hbm>> -> memref<1024xi32, #tpu.memory_space<hbm>>
          %dma_wait3A_90 = tpu.memref_slice %arg2[%multiple_of3A] : memref<5488640xi32, #tpu.memory_space<hbm>> -> memref<1024xi32, #tpu.memory_space<hbm>>
          tpu.wait_dma2 semaphore(%arg12 : memref<!tpu.dma_semaphore, #tpu.memory_space<semaphore_mem>>) src(%dma_wait3A_90 : memref<1024xi32, #tpu.memory_space<hbm>>) dst(%arg8 : memref<1024xi32, #tpu.memory_space<vmem>>)
          %dma_wait3A_91 = tpu.memref_slice %arg3[%multiple_of3A] : memref<5488640xf32, #tpu.memory_space<hbm>> -> memref<1024xf32, #tpu.memory_space<hbm>>
          %dma_wait3A_92 = tpu.memref_slice %arg3[%multiple_of3A] : memref<5488640xf32, #tpu.memory_space<hbm>> -> memref<1024xf32, #tpu.memory_space<hbm>>
          tpu.wait_dma2 semaphore(%arg12 : memref<!tpu.dma_semaphore, #tpu.memory_space<semaphore_mem>>) src(%dma_wait3A_92 : memref<1024xf32, #tpu.memory_space<hbm>>) dst(%arg9 : memref<1024xf32, #tpu.memory_space<vmem>>)
          %mul3A_93 = arith.constant 1024 : i32
          %mul3A_94 = arith.muli %while3A_83, %mul3A_93 : i32
          %sub3A_95 = arith.subi %reduce_sum3A_62, %mul3A_94 : i32
          %scan3A_96 = arith.constant 0 : i32
          %scan3A_97 = arith.constant 16 : i32
          %scan3A_98 = arith.addi %scan3A_96, %scan3A_97 : i32
          %scan3A_99 = arith.constant 1 : i32
          scf.for %scan3A_101 = %scan3A_96 to %scan3A_98 step %scan3A_99  : i32 {
            %mul3A_102 = arith.constant 4 : i32
            %mul3A_103 = arith.muli %scan3A_101, %mul3A_102 : i32
            %add3A_104 = arith.constant 0 : i32
            %add3A_105 = arith.addi %mul3A_103, %add3A_104 : i32
            %mul3A_106 = arith.constant 16 : i32
            %mul3A_107 = arith.muli %add3A_105, %mul3A_106 : i32
            %get3A_108 = arith.index_cast %mul3A_107 : i32 to index
            %get3A_109 = tpu.vector_load %arg8[%get3A_108] {strides = array<i32>} : memref<1024xi32, #tpu.memory_space<vmem>>, vector<16xi32>,
            %mul3A_110 = arith.constant 16 : i32
            %mul3A_111 = arith.muli %add3A_105, %mul3A_110 : i32
            %get3A_112 = arith.index_cast %mul3A_111 : i32 to index
            %get3A_113 = tpu.vector_load %arg9[%get3A_112] {strides = array<i32>} : memref<1024xf32, #tpu.memory_space<vmem>>, vector<16xf32>,
            %mul3A_114 = arith.constant 16 : i32
            %mul3A_115 = arith.muli %add3A_105, %mul3A_114 : i32
            %sub3A_116 = arith.subi %sub3A_95, %mul3A_115 : i32
            %lt3A = vector.broadcast %sub3A_116 : i32 to vector<16xi32>
            %lt3A_117 = arith.cmpi slt, %iota3A, %lt3A : vector<16xi32>
            %and3A_118 = arith.constant 65535 : i32
            %and3A_119 = vector.broadcast %and3A_118 : i32 to vector<16xi32>
            %and3A_120 = arith.andi %get3A_109, %and3A_119 : vector<16xi32>
            %shift_left3A = arith.constant 4 : i32
            %shift_left3A_121 = vector.broadcast %shift_left3A : i32 to vector<16xi32>
            %shift_left3A_122 = arith.shli %and3A_120, %shift_left3A_121 : vector<16xi32>
            %or3A = arith.ori %shift_left3A_122, %iota3A : vector<16xi32>
            %add3A_123 = arith.constant 1048576 : i32
            %add3A_124 = vector.broadcast %add3A_123 : i32 to vector<16xi32>
            %add3A_125 = arith.addi %add3A_124, %iota3A : vector<16xi32>
            %select_n3A_126 = arith.select %lt3A_117, %or3A, %add3A_125 : vector<16xi1>, vector<16xi32>
            %masked_sort3A = arith.constant dense<true> : vector<16xi1>
            %masked_sort3A_127 = arith.constant -2147483648 : i32
            %masked_sort3A_128 = vector.broadcast %masked_sort3A_127 : i32 to vector<16xi32>
            %masked_sort3A_129 = arith.xori %select_n3A_126, %masked_sort3A_128 : vector<16xi32>
            %masked_sort3A_130, %masked_sort3A_131, %masked_sort3A_132 = tpu.sort %masked_sort3A_129, %get3A_113 masked %masked_sort3A : (vector<16xi32>, vector<16xf32>, vector<16xi1>) -> (vector<16xi1>, vector<16xi32>, vector<16xf32>)
            %masked_sort3A_133 = arith.xori %masked_sort3A_131, %masked_sort3A_128 : vector<16xi32>
            %shift_right_arithmetic3A_134 = arith.constant 4 : i32
            %shift_right_arithmetic3A_135 = vector.broadcast %shift_right_arithmetic3A_134 : i32 to vector<16xi32>
            %shift_right_arithmetic3A_136 = arith.shrsi %masked_sort3A_133, %shift_right_arithmetic3A_135 : vector<16xi32>
            %lt3A_137 = arith.constant 0 : i32
            %lt3A_138 = vector.broadcast %lt3A_137 : i32 to vector<16xi32>
            %lt3A_139 = arith.cmpi slt, %min3A_5, %lt3A_138 : vector<16xi32>
            %add3A_140 = arith.constant 16 : i32
            %add3A_141 = vector.broadcast %add3A_140 : i32 to vector<16xi32>
            %add3A_142 = arith.addi %min3A_5, %add3A_141 : vector<16xi32>
            %select_n3A_143 = arith.select %lt3A_139, %add3A_142, %min3A_5 : vector<16xi1>, vector<16xi32>
            %broadcast_in_dim3A_144 = vector.shape_cast %select_n3A_143 : vector<16xi32> to vector<16x1xi32>
            %gather3A = vector.shape_cast %broadcast_in_dim3A_144 : vector<16x1xi32> to vector<16xi32>
            %gather3A_145 = tpu.dynamic_gather %shift_right_arithmetic3A_136[%gather3A] in [0] : vector<16xi32>, vector<16xi32> -> vector<16xi32>
            %ne3A = arith.cmpi ne, %shift_right_arithmetic3A_136, %gather3A_145 : vector<16xi32>
            %or3A_146 = arith.ori %ne3A, %eq3A_7 : vector<16xi1>
            %lt3A_147 = arith.constant 65536 : i32
            %lt3A_148 = vector.broadcast %lt3A_147 : i32 to vector<16xi32>
            %lt3A_149 = arith.cmpi slt, %shift_right_arithmetic3A_136, %lt3A_148 : vector<16xi32>
            %and3A_150 = arith.andi %or3A_146, %lt3A_149 : vector<16xi1>
            %min3A_151 = arith.constant 65535 : i32
            %min3A_152 = vector.broadcast %min3A_151 : i32 to vector<16xi32>
            %min3A_153 = arith.minsi %shift_right_arithmetic3A_136, %min3A_152 : vector<16xi32>
            tpu.vector_store_idx %arg7[%min3A_153], %masked_sort3A_132 masked %and3A_150 : memref<65536xf32, #tpu.memory_space<vmem>>[vector<16xi32>], vector<16xf32>, vector<16xi1>
            %mul3A_154 = arith.constant 4 : i32
            %mul3A_155 = arith.muli %scan3A_101, %mul3A_154 : i32
            %add3A_156 = arith.constant 1 : i32
            %add3A_157 = arith.addi %mul3A_155, %add3A_156 : i32
            %mul3A_158 = arith.constant 16 : i32
            %mul3A_159 = arith.muli %add3A_157, %mul3A_158 : i32
            %get3A_160 = arith.index_cast %mul3A_159 : i32 to index
            %get3A_161 = tpu.vector_load %arg8[%get3A_160] {strides = array<i32>} : memref<1024xi32, #tpu.memory_space<vmem>>, vector<16xi32>,
            %mul3A_162 = arith.constant 16 : i32
            %mul3A_163 = arith.muli %add3A_157, %mul3A_162 : i32
            %get3A_164 = arith.index_cast %mul3A_163 : i32 to index
            %get3A_165 = tpu.vector_load %arg9[%get3A_164] {strides = array<i32>} : memref<1024xf32, #tpu.memory_space<vmem>>, vector<16xf32>,
            %mul3A_166 = arith.constant 16 : i32
            %mul3A_167 = arith.muli %add3A_157, %mul3A_166 : i32
            %sub3A_168 = arith.subi %sub3A_95, %mul3A_167 : i32
            %lt3A_169 = vector.broadcast %sub3A_168 : i32 to vector<16xi32>
            %lt3A_170 = arith.cmpi slt, %iota3A, %lt3A_169 : vector<16xi32>
            %and3A_171 = arith.constant 65535 : i32
            %and3A_172 = vector.broadcast %and3A_171 : i32 to vector<16xi32>
            %and3A_173 = arith.andi %get3A_161, %and3A_172 : vector<16xi32>
            %shift_left3A_174 = arith.constant 4 : i32
            %shift_left3A_175 = vector.broadcast %shift_left3A_174 : i32 to vector<16xi32>
            %shift_left3A_176 = arith.shli %and3A_173, %shift_left3A_175 : vector<16xi32>
            %or3A_177 = arith.ori %shift_left3A_176, %iota3A : vector<16xi32>
            %add3A_178 = arith.constant 1048576 : i32
            %add3A_179 = vector.broadcast %add3A_178 : i32 to vector<16xi32>
            %add3A_180 = arith.addi %add3A_179, %iota3A : vector<16xi32>
            %select_n3A_181 = arith.select %lt3A_170, %or3A_177, %add3A_180 : vector<16xi1>, vector<16xi32>
            %masked_sort3A_182 = arith.constant dense<true> : vector<16xi1>
            %masked_sort3A_183 = arith.constant -2147483648 : i32
            %masked_sort3A_184 = vector.broadcast %masked_sort3A_183 : i32 to vector<16xi32>
            %masked_sort3A_185 = arith.xori %select_n3A_181, %masked_sort3A_184 : vector<16xi32>
            %masked_sort3A_186, %masked_sort3A_187, %masked_sort3A_188 = tpu.sort %masked_sort3A_185, %get3A_165 masked %masked_sort3A_182 : (vector<16xi32>, vector<16xf32>, vector<16xi1>) -> (vector<16xi1>, vector<16xi32>, vector<16xf32>)
            %masked_sort3A_189 = arith.xori %masked_sort3A_187, %masked_sort3A_184 : vector<16xi32>
            %shift_right_arithmetic3A_190 = arith.constant 4 : i32
            %shift_right_arithmetic3A_191 = vector.broadcast %shift_right_arithmetic3A_190 : i32 to vector<16xi32>
            %shift_right_arithmetic3A_192 = arith.shrsi %masked_sort3A_189, %shift_right_arithmetic3A_191 : vector<16xi32>
            %lt3A_193 = arith.constant 0 : i32
            %lt3A_194 = vector.broadcast %lt3A_193 : i32 to vector<16xi32>
            %lt3A_195 = arith.cmpi slt, %min3A_5, %lt3A_194 : vector<16xi32>
            %add3A_196 = arith.constant 16 : i32
            %add3A_197 = vector.broadcast %add3A_196 : i32 to vector<16xi32>
            %add3A_198 = arith.addi %min3A_5, %add3A_197 : vector<16xi32>
            %select_n3A_199 = arith.select %lt3A_195, %add3A_198, %min3A_5 : vector<16xi1>, vector<16xi32>
            %broadcast_in_dim3A_200 = vector.shape_cast %select_n3A_199 : vector<16xi32> to vector<16x1xi32>
            %gather3A_201 = vector.shape_cast %broadcast_in_dim3A_200 : vector<16x1xi32> to vector<16xi32>
            %gather3A_202 = tpu.dynamic_gather %shift_right_arithmetic3A_192[%gather3A_201] in [0] : vector<16xi32>, vector<16xi32> -> vector<16xi32>
            %ne3A_203 = arith.cmpi ne, %shift_right_arithmetic3A_192, %gather3A_202 : vector<16xi32>
            %or3A_204 = arith.ori %ne3A_203, %eq3A_7 : vector<16xi1>
            %lt3A_205 = arith.constant 65536 : i32
            %lt3A_206 = vector.broadcast %lt3A_205 : i32 to vector<16xi32>
            %lt3A_207 = arith.cmpi slt, %shift_right_arithmetic3A_192, %lt3A_206 : vector<16xi32>
            %and3A_208 = arith.andi %or3A_204, %lt3A_207 : vector<16xi1>
            %min3A_209 = arith.constant 65535 : i32
            %min3A_210 = vector.broadcast %min3A_209 : i32 to vector<16xi32>
            %min3A_211 = arith.minsi %shift_right_arithmetic3A_192, %min3A_210 : vector<16xi32>
            tpu.vector_store_idx %arg7[%min3A_211], %masked_sort3A_188 masked %and3A_208 : memref<65536xf32, #tpu.memory_space<vmem>>[vector<16xi32>], vector<16xf32>, vector<16xi1>
            %mul3A_212 = arith.constant 4 : i32
            %mul3A_213 = arith.muli %scan3A_101, %mul3A_212 : i32
            %add3A_214 = arith.constant 2 : i32
            %add3A_215 = arith.addi %mul3A_213, %add3A_214 : i32
            %mul3A_216 = arith.constant 16 : i32
            %mul3A_217 = arith.muli %add3A_215, %mul3A_216 : i32
            %get3A_218 = arith.index_cast %mul3A_217 : i32 to index
            %get3A_219 = tpu.vector_load %arg8[%get3A_218] {strides = array<i32>} : memref<1024xi32, #tpu.memory_space<vmem>>, vector<16xi32>,
            %mul3A_220 = arith.constant 16 : i32
            %mul3A_221 = arith.muli %add3A_215, %mul3A_220 : i32
            %get3A_222 = arith.index_cast %mul3A_221 : i32 to index
            %get3A_223 = tpu.vector_load %arg9[%get3A_222] {strides = array<i32>} : memref<1024xf32, #tpu.memory_space<vmem>>, vector<16xf32>,
            %mul3A_224 = arith.constant 16 : i32
            %mul3A_225 = arith.muli %add3A_215, %mul3A_224 : i32
            %sub3A_226 = arith.subi %sub3A_95, %mul3A_225 : i32
            %lt3A_227 = vector.broadcast %sub3A_226 : i32 to vector<16xi32>
            %lt3A_228 = arith.cmpi slt, %iota3A, %lt3A_227 : vector<16xi32>
            %and3A_229 = arith.constant 65535 : i32
            %and3A_230 = vector.broadcast %and3A_229 : i32 to vector<16xi32>
            %and3A_231 = arith.andi %get3A_219, %and3A_230 : vector<16xi32>
            %shift_left3A_232 = arith.constant 4 : i32
            %shift_left3A_233 = vector.broadcast %shift_left3A_232 : i32 to vector<16xi32>
            %shift_left3A_234 = arith.shli %and3A_231, %shift_left3A_233 : vector<16xi32>
            %or3A_235 = arith.ori %shift_left3A_234, %iota3A : vector<16xi32>
            %add3A_236 = arith.constant 1048576 : i32
            %add3A_237 = vector.broadcast %add3A_236 : i32 to vector<16xi32>
            %add3A_238 = arith.addi %add3A_237, %iota3A : vector<16xi32>
            %select_n3A_239 = arith.select %lt3A_228, %or3A_235, %add3A_238 : vector<16xi1>, vector<16xi32>
            %masked_sort3A_240 = arith.constant dense<true> : vector<16xi1>
            %masked_sort3A_241 = arith.constant -2147483648 : i32
            %masked_sort3A_242 = vector.broadcast %masked_sort3A_241 : i32 to vector<16xi32>
            %masked_sort3A_243 = arith.xori %select_n3A_239, %masked_sort3A_242 : vector<16xi32>
            %masked_sort3A_244, %masked_sort3A_245, %masked_sort3A_246 = tpu.sort %masked_sort3A_243, %get3A_223 masked %masked_sort3A_240 : (vector<16xi32>, vector<16xf32>, vector<16xi1>) -> (vector<16xi1>, vector<16xi32>, vector<16xf32>)
            %masked_sort3A_247 = arith.xori %masked_sort3A_245, %masked_sort3A_242 : vector<16xi32>
            %shift_right_arithmetic3A_248 = arith.constant 4 : i32
            %shift_right_arithmetic3A_249 = vector.broadcast %shift_right_arithmetic3A_248 : i32 to vector<16xi32>
            %shift_right_arithmetic3A_250 = arith.shrsi %masked_sort3A_247, %shift_right_arithmetic3A_249 : vector<16xi32>
            %lt3A_251 = arith.constant 0 : i32
            %lt3A_252 = vector.broadcast %lt3A_251 : i32 to vector<16xi32>
            %lt3A_253 = arith.cmpi slt, %min3A_5, %lt3A_252 : vector<16xi32>
            %add3A_254 = arith.constant 16 : i32
            %add3A_255 = vector.broadcast %add3A_254 : i32 to vector<16xi32>
            %add3A_256 = arith.addi %min3A_5, %add3A_255 : vector<16xi32>
            %select_n3A_257 = arith.select %lt3A_253, %add3A_256, %min3A_5 : vector<16xi1>, vector<16xi32>
            %broadcast_in_dim3A_258 = vector.shape_cast %select_n3A_257 : vector<16xi32> to vector<16x1xi32>
            %gather3A_259 = vector.shape_cast %broadcast_in_dim3A_258 : vector<16x1xi32> to vector<16xi32>
            %gather3A_260 = tpu.dynamic_gather %shift_right_arithmetic3A_250[%gather3A_259] in [0] : vector<16xi32>, vector<16xi32> -> vector<16xi32>
            %ne3A_261 = arith.cmpi ne, %shift_right_arithmetic3A_250, %gather3A_260 : vector<16xi32>
            %or3A_262 = arith.ori %ne3A_261, %eq3A_7 : vector<16xi1>
            %lt3A_263 = arith.constant 65536 : i32
            %lt3A_264 = vector.broadcast %lt3A_263 : i32 to vector<16xi32>
            %lt3A_265 = arith.cmpi slt, %shift_right_arithmetic3A_250, %lt3A_264 : vector<16xi32>
            %and3A_266 = arith.andi %or3A_262, %lt3A_265 : vector<16xi1>
            %min3A_267 = arith.constant 65535 : i32
            %min3A_268 = vector.broadcast %min3A_267 : i32 to vector<16xi32>
            %min3A_269 = arith.minsi %shift_right_arithmetic3A_250, %min3A_268 : vector<16xi32>
            tpu.vector_store_idx %arg7[%min3A_269], %masked_sort3A_246 masked %and3A_266 : memref<65536xf32, #tpu.memory_space<vmem>>[vector<16xi32>], vector<16xf32>, vector<16xi1>
            %mul3A_270 = arith.constant 4 : i32
            %mul3A_271 = arith.muli %scan3A_101, %mul3A_270 : i32
            %add3A_272 = arith.constant 3 : i32
            %add3A_273 = arith.addi %mul3A_271, %add3A_272 : i32
            %mul3A_274 = arith.constant 16 : i32
            %mul3A_275 = arith.muli %add3A_273, %mul3A_274 : i32
            %get3A_276 = arith.index_cast %mul3A_275 : i32 to index
            %get3A_277 = tpu.vector_load %arg8[%get3A_276] {strides = array<i32>} : memref<1024xi32, #tpu.memory_space<vmem>>, vector<16xi32>,
            %mul3A_278 = arith.constant 16 : i32
            %mul3A_279 = arith.muli %add3A_273, %mul3A_278 : i32
            %get3A_280 = arith.index_cast %mul3A_279 : i32 to index
            %get3A_281 = tpu.vector_load %arg9[%get3A_280] {strides = array<i32>} : memref<1024xf32, #tpu.memory_space<vmem>>, vector<16xf32>,
            %mul3A_282 = arith.constant 16 : i32
            %mul3A_283 = arith.muli %add3A_273, %mul3A_282 : i32
            %sub3A_284 = arith.subi %sub3A_95, %mul3A_283 : i32
            %lt3A_285 = vector.broadcast %sub3A_284 : i32 to vector<16xi32>
            %lt3A_286 = arith.cmpi slt, %iota3A, %lt3A_285 : vector<16xi32>
            %and3A_287 = arith.constant 65535 : i32
            %and3A_288 = vector.broadcast %and3A_287 : i32 to vector<16xi32>
            %and3A_289 = arith.andi %get3A_277, %and3A_288 : vector<16xi32>
            %shift_left3A_290 = arith.constant 4 : i32
            %shift_left3A_291 = vector.broadcast %shift_left3A_290 : i32 to vector<16xi32>
            %shift_left3A_292 = arith.shli %and3A_289, %shift_left3A_291 : vector<16xi32>
            %or3A_293 = arith.ori %shift_left3A_292, %iota3A : vector<16xi32>
            %add3A_294 = arith.constant 1048576 : i32
            %add3A_295 = vector.broadcast %add3A_294 : i32 to vector<16xi32>
            %add3A_296 = arith.addi %add3A_295, %iota3A : vector<16xi32>
            %select_n3A_297 = arith.select %lt3A_286, %or3A_293, %add3A_296 : vector<16xi1>, vector<16xi32>
            %masked_sort3A_298 = arith.constant dense<true> : vector<16xi1>
            %masked_sort3A_299 = arith.constant -2147483648 : i32
            %masked_sort3A_300 = vector.broadcast %masked_sort3A_299 : i32 to vector<16xi32>
            %masked_sort3A_301 = arith.xori %select_n3A_297, %masked_sort3A_300 : vector<16xi32>
            %masked_sort3A_302, %masked_sort3A_303, %masked_sort3A_304 = tpu.sort %masked_sort3A_301, %get3A_281 masked %masked_sort3A_298 : (vector<16xi32>, vector<16xf32>, vector<16xi1>) -> (vector<16xi1>, vector<16xi32>, vector<16xf32>)
            %masked_sort3A_305 = arith.xori %masked_sort3A_303, %masked_sort3A_300 : vector<16xi32>
            %shift_right_arithmetic3A_306 = arith.constant 4 : i32
            %shift_right_arithmetic3A_307 = vector.broadcast %shift_right_arithmetic3A_306 : i32 to vector<16xi32>
            %shift_right_arithmetic3A_308 = arith.shrsi %masked_sort3A_305, %shift_right_arithmetic3A_307 : vector<16xi32>
            %lt3A_309 = arith.constant 0 : i32
            %lt3A_310 = vector.broadcast %lt3A_309 : i32 to vector<16xi32>
            %lt3A_311 = arith.cmpi slt, %min3A_5, %lt3A_310 : vector<16xi32>
            %add3A_312 = arith.constant 16 : i32
            %add3A_313 = vector.broadcast %add3A_312 : i32 to vector<16xi32>
            %add3A_314 = arith.addi %min3A_5, %add3A_313 : vector<16xi32>
            %select_n3A_315 = arith.select %lt3A_311, %add3A_314, %min3A_5 : vector<16xi1>, vector<16xi32>
            %broadcast_in_dim3A_316 = vector.shape_cast %select_n3A_315 : vector<16xi32> to vector<16x1xi32>
            %gather3A_317 = vector.shape_cast %broadcast_in_dim3A_316 : vector<16x1xi32> to vector<16xi32>
            %gather3A_318 = tpu.dynamic_gather %shift_right_arithmetic3A_308[%gather3A_317] in [0] : vector<16xi32>, vector<16xi32> -> vector<16xi32>
            %ne3A_319 = arith.cmpi ne, %shift_right_arithmetic3A_308, %gather3A_318 : vector<16xi32>
            %or3A_320 = arith.ori %ne3A_319, %eq3A_7 : vector<16xi1>
            %lt3A_321 = arith.constant 65536 : i32
            %lt3A_322 = vector.broadcast %lt3A_321 : i32 to vector<16xi32>
            %lt3A_323 = arith.cmpi slt, %shift_right_arithmetic3A_308, %lt3A_322 : vector<16xi32>
            %and3A_324 = arith.andi %or3A_320, %lt3A_323 : vector<16xi1>
            %min3A_325 = arith.constant 65535 : i32
            %min3A_326 = vector.broadcast %min3A_325 : i32 to vector<16xi32>
            %min3A_327 = arith.minsi %shift_right_arithmetic3A_308, %min3A_326 : vector<16xi32>
            tpu.vector_store_idx %arg7[%min3A_327], %masked_sort3A_304 masked %and3A_324 : memref<65536xf32, #tpu.memory_space<vmem>>[vector<16xi32>], vector<16xf32>, vector<16xi1>
          }
          %scan3A_100 = arith.constant 16 : i32
        }
        %while3A_82 = arith.constant 1 : i32
        scf.for %while3A_83 = %while3A_80 to %while3A_76 step %while3A_82  : i32 {
          %mul3A_84 = arith.constant 1024 : i32
          %mul3A_85 = arith.muli %while3A_83, %mul3A_84 : i32
          %add3A_86 = arith.addi %add3A_68, %mul3A_85 : i32
          %multiple_of3A = tpu.assume_multiple %add3A_86, 16 : i32
          %dma_start3A = tpu.memref_slice %arg2[%multiple_of3A] : memref<5488640xi32, #tpu.memory_space<hbm>> -> memref<1024xi32, #tpu.memory_space<hbm>>
          %dma_start3A_87 = tpu.memref_slice %arg2[%multiple_of3A] : memref<5488640xi32, #tpu.memory_space<hbm>> -> memref<1024xi32, #tpu.memory_space<hbm>>
          tpu.enqueue_dma source(%dma_start3A_87 : memref<1024xi32, #tpu.memory_space<hbm>>) target(%arg8 : memref<1024xi32, #tpu.memory_space<vmem>>) target_semaphore(%arg12 : memref<!tpu.dma_semaphore, #tpu.memory_space<semaphore_mem>>)
          %dma_start3A_88 = tpu.memref_slice %arg3[%multiple_of3A] : memref<5488640xf32, #tpu.memory_space<hbm>> -> memref<1024xf32, #tpu.memory_space<hbm>>
          %dma_start3A_89 = tpu.memref_slice %arg3[%multiple_of3A] : memref<5488640xf32, #tpu.memory_space<hbm>> -> memref<1024xf32, #tpu.memory_space<hbm>>
          tpu.enqueue_dma source(%dma_start3A_89 : memref<1024xf32, #tpu.memory_space<hbm>>) target(%arg9 : memref<1024xf32, #tpu.memory_space<vmem>>) target_semaphore(%arg12 : memref<!tpu.dma_semaphore, #tpu.memory_space<semaphore_mem>>)
          %dma_wait3A = tpu.memref_slice %arg2[%multiple_of3A] : memref<5488640xi32, #tpu.memory_space<hbm>> -> memref<1024xi32, #tpu.memory_space<hbm>>
          %dma_wait3A_90 = tpu.memref_slice %arg2[%multiple_of3A] : memref<5488640xi32, #tpu.memory_space<hbm>> -> memref<1024xi32, #tpu.memory_space<hbm>>
          tpu.wait_dma2 semaphore(%arg12 : memref<!tpu.dma_semaphore, #tpu.memory_space<semaphore_mem>>) src(%dma_wait3A_90 : memref<1024xi32, #tpu.memory_space<hbm>>) dst(%arg8 : memref<1024xi32, #tpu.memory_space<vmem>>)
          %dma_wait3A_91 = tpu.memref_slice %arg3[%multiple_of3A] : memref<5488640xf32, #tpu.memory_space<hbm>> -> memref<1024xf32, #tpu.memory_space<hbm>>
          %dma_wait3A_92 = tpu.memref_slice %arg3[%multiple_of3A] : memref<5488640xf32, #tpu.memory_space<hbm>> -> memref<1024xf32, #tpu.memory_space<hbm>>
          tpu.wait_dma2 semaphore(%arg12 : memref<!tpu.dma_semaphore, #tpu.memory_space<semaphore_mem>>) src(%dma_wait3A_92 : memref<1024xf32, #tpu.memory_space<hbm>>) dst(%arg9 : memref<1024xf32, #tpu.memory_space<vmem>>)
          %mul3A_93 = arith.constant 1024 : i32
          %mul3A_94 = arith.muli %while3A_83, %mul3A_93 : i32
          %sub3A_95 = arith.subi %reduce_sum3A_62, %mul3A_94 : i32
          %scan3A_96 = arith.constant 0 : i32
          %scan3A_97 = arith.constant 16 : i32
          %scan3A_98 = arith.addi %scan3A_96, %scan3A_97 : i32
          %scan3A_99 = arith.constant 1 : i32
          scf.for %scan3A_101 = %scan3A_96 to %scan3A_98 step %scan3A_99  : i32 {
            %mul3A_102 = arith.constant 4 : i32
            %mul3A_103 = arith.muli %scan3A_101, %mul3A_102 : i32
            %add3A_104 = arith.constant 0 : i32
            %add3A_105 = arith.addi %mul3A_103, %add3A_104 : i32
            %mul3A_106 = arith.constant 16 : i32
            %mul3A_107 = arith.muli %add3A_105, %mul3A_106 : i32
            %get3A_108 = arith.index_cast %mul3A_107 : i32 to index
            %get3A_109 = tpu.vector_load %arg8[%get3A_108] {strides = array<i32>} : memref<1024xi32, #tpu.memory_space<vmem>>, vector<16xi32>,
            %mul3A_110 = arith.constant 16 : i32
            %mul3A_111 = arith.muli %add3A_105, %mul3A_110 : i32
            %get3A_112 = arith.index_cast %mul3A_111 : i32 to index
            %get3A_113 = tpu.vector_load %arg9[%get3A_112] {strides = array<i32>} : memref<1024xf32, #tpu.memory_space<vmem>>, vector<16xf32>,
            %mul3A_114 = arith.constant 16 : i32
            %mul3A_115 = arith.muli %add3A_105, %mul3A_114 : i32
            %sub3A_116 = arith.subi %sub3A_95, %mul3A_115 : i32
            %lt3A = vector.broadcast %sub3A_116 : i32 to vector<16xi32>
            %lt3A_117 = arith.cmpi slt, %iota3A, %lt3A : vector<16xi32>
            %and3A_118 = arith.constant 65535 : i32
            %and3A_119 = vector.broadcast %and3A_118 : i32 to vector<16xi32>
            %and3A_120 = arith.andi %get3A_109, %and3A_119 : vector<16xi32>
            %shift_left3A = arith.constant 4 : i32
            %shift_left3A_121 = vector.broadcast %shift_left3A : i32 to vector<16xi32>
            %shift_left3A_122 = arith.shli %and3A_120, %shift_left3A_121 : vector<16xi32>
            %or3A = arith.ori %shift_left3A_122, %iota3A : vector<16xi32>
            %add3A_123 = arith.constant 1048576 : i32
            %add3A_124 = vector.broadcast %add3A_123 : i32 to vector<16xi32>
            %add3A_125 = arith.addi %add3A_124, %iota3A : vector<16xi32>
            %select_n3A_126 = arith.select %lt3A_117, %or3A, %add3A_125 : vector<16xi1>, vector<16xi32>
            %masked_sort3A = arith.constant dense<true> : vector<16xi1>
            %masked_sort3A_127 = arith.constant -2147483648 : i32
            %masked_sort3A_128 = vector.broadcast %masked_sort3A_127 : i32 to vector<16xi32>
            %masked_sort3A_129 = arith.xori %select_n3A_126, %masked_sort3A_128 : vector<16xi32>
            %masked_sort3A_130, %masked_sort3A_131, %masked_sort3A_132 = tpu.sort %masked_sort3A_129, %get3A_113 masked %masked_sort3A : (vector<16xi32>, vector<16xf32>, vector<16xi1>) -> (vector<16xi1>, vector<16xi32>, vector<16xf32>)
            %masked_sort3A_133 = arith.xori %masked_sort3A_131, %masked_sort3A_128 : vector<16xi32>
            %shift_right_arithmetic3A_134 = arith.constant 4 : i32
            %shift_right_arithmetic3A_135 = vector.broadcast %shift_right_arithmetic3A_134 : i32 to vector<16xi32>
            %shift_right_arithmetic3A_136 = arith.shrsi %masked_sort3A_133, %shift_right_arithmetic3A_135 : vector<16xi32>
            %lt3A_137 = arith.constant 0 : i32
            %lt3A_138 = vector.broadcast %lt3A_137 : i32 to vector<16xi32>
            %lt3A_139 = arith.cmpi slt, %min3A_5, %lt3A_138 : vector<16xi32>
            %add3A_140 = arith.constant 16 : i32
            %add3A_141 = vector.broadcast %add3A_140 : i32 to vector<16xi32>
            %add3A_142 = arith.addi %min3A_5, %add3A_141 : vector<16xi32>
            %select_n3A_143 = arith.select %lt3A_139, %add3A_142, %min3A_5 : vector<16xi1>, vector<16xi32>
            %broadcast_in_dim3A_144 = vector.shape_cast %select_n3A_143 : vector<16xi32> to vector<16x1xi32>
            %gather3A = vector.shape_cast %broadcast_in_dim3A_144 : vector<16x1xi32> to vector<16xi32>
            %gather3A_145 = tpu.dynamic_gather %shift_right_arithmetic3A_136[%gather3A] in [0] : vector<16xi32>, vector<16xi32> -> vector<16xi32>
            %ne3A = arith.cmpi ne, %shift_right_arithmetic3A_136, %gather3A_145 : vector<16xi32>
            %or3A_146 = arith.ori %ne3A, %eq3A_7 : vector<16xi1>
            %lt3A_147 = arith.constant 65536 : i32
            %lt3A_148 = vector.broadcast %lt3A_147 : i32 to vector<16xi32>
            %lt3A_149 = arith.cmpi slt, %shift_right_arithmetic3A_136, %lt3A_148 : vector<16xi32>
            %and3A_150 = arith.andi %or3A_146, %lt3A_149 : vector<16xi1>
            %min3A_151 = arith.constant 65535 : i32
            %min3A_152 = vector.broadcast %min3A_151 : i32 to vector<16xi32>
            %min3A_153 = arith.minsi %shift_right_arithmetic3A_136, %min3A_152 : vector<16xi32>
            tpu.vector_store_idx %arg7[%min3A_153], %masked_sort3A_132 masked %and3A_150 : memref<65536xf32, #tpu.memory_space<vmem>>[vector<16xi32>], vector<16xf32>, vector<16xi1>
            %mul3A_154 = arith.constant 4 : i32
            %mul3A_155 = arith.muli %scan3A_101, %mul3A_154 : i32
            %add3A_156 = arith.constant 1 : i32
            %add3A_157 = arith.addi %mul3A_155, %add3A_156 : i32
            %mul3A_158 = arith.constant 16 : i32
            %mul3A_159 = arith.muli %add3A_157, %mul3A_158 : i32
            %get3A_160 = arith.index_cast %mul3A_159 : i32 to index
            %get3A_161 = tpu.vector_load %arg8[%get3A_160] {strides = array<i32>} : memref<1024xi32, #tpu.memory_space<vmem>>, vector<16xi32>,
            %mul3A_162 = arith.constant 16 : i32
            %mul3A_163 = arith.muli %add3A_157, %mul3A_162 : i32
            %get3A_164 = arith.index_cast %mul3A_163 : i32 to index
            %get3A_165 = tpu.vector_load %arg9[%get3A_164] {strides = array<i32>} : memref<1024xf32, #tpu.memory_space<vmem>>, vector<16xf32>,
            %mul3A_166 = arith.constant 16 : i32
            %mul3A_167 = arith.muli %add3A_157, %mul3A_166 : i32
            %sub3A_168 = arith.subi %sub3A_95, %mul3A_167 : i32
            %lt3A_169 = vector.broadcast %sub3A_168 : i32 to vector<16xi32>
            %lt3A_170 = arith.cmpi slt, %iota3A, %lt3A_169 : vector<16xi32>
            %and3A_171 = arith.constant 65535 : i32
            %and3A_172 = vector.broadcast %and3A_171 : i32 to vector<16xi32>
            %and3A_173 = arith.andi %get3A_161, %and3A_172 : vector<16xi32>
            %shift_left3A_174 = arith.constant 4 : i32
            %shift_left3A_175 = vector.broadcast %shift_left3A_174 : i32 to vector<16xi32>
            %shift_left3A_176 = arith.shli %and3A_173, %shift_left3A_175 : vector<16xi32>
            %or3A_177 = arith.ori %shift_left3A_176, %iota3A : vector<16xi32>
            %add3A_178 = arith.constant 1048576 : i32
            %add3A_179 = vector.broadcast %add3A_178 : i32 to vector<16xi32>
            %add3A_180 = arith.addi %add3A_179, %iota3A : vector<16xi32>
            %select_n3A_181 = arith.select %lt3A_170, %or3A_177, %add3A_180 : vector<16xi1>, vector<16xi32>
            %masked_sort3A_182 = arith.constant dense<true> : vector<16xi1>
            %masked_sort3A_183 = arith.constant -2147483648 : i32
            %masked_sort3A_184 = vector.broadcast %masked_sort3A_183 : i32 to vector<16xi32>
            %masked_sort3A_185 = arith.xori %select_n3A_181, %masked_sort3A_184 : vector<16xi32>
            %masked_sort3A_186, %masked_sort3A_187, %masked_sort3A_188 = tpu.sort %masked_sort3A_185, %get3A_165 masked %masked_sort3A_182 : (vector<16xi32>, vector<16xf32>, vector<16xi1>) -> (vector<16xi1>, vector<16xi32>, vector<16xf32>)
            %masked_sort3A_189 = arith.xori %masked_sort3A_187, %masked_sort3A_184 : vector<16xi32>
            %shift_right_arithmetic3A_190 = arith.constant 4 : i32
            %shift_right_arithmetic3A_191 = vector.broadcast %shift_right_arithmetic3A_190 : i32 to vector<16xi32>
            %shift_right_arithmetic3A_192 = arith.shrsi %masked_sort3A_189, %shift_right_arithmetic3A_191 : vector<16xi32>
            %lt3A_193 = arith.constant 0 : i32
            %lt3A_194 = vector.broadcast %lt3A_193 : i32 to vector<16xi32>
            %lt3A_195 = arith.cmpi slt, %min3A_5, %lt3A_194 : vector<16xi32>
            %add3A_196 = arith.constant 16 : i32
            %add3A_197 = vector.broadcast %add3A_196 : i32 to vector<16xi32>
            %add3A_198 = arith.addi %min3A_5, %add3A_197 : vector<16xi32>
            %select_n3A_199 = arith.select %lt3A_195, %add3A_198, %min3A_5 : vector<16xi1>, vector<16xi32>
            %broadcast_in_dim3A_200 = vector.shape_cast %select_n3A_199 : vector<16xi32> to vector<16x1xi32>
            %gather3A_201 = vector.shape_cast %broadcast_in_dim3A_200 : vector<16x1xi32> to vector<16xi32>
            %gather3A_202 = tpu.dynamic_gather %shift_right_arithmetic3A_192[%gather3A_201] in [0] : vector<16xi32>, vector<16xi32> -> vector<16xi32>
            %ne3A_203 = arith.cmpi ne, %shift_right_arithmetic3A_192, %gather3A_202 : vector<16xi32>
            %or3A_204 = arith.ori %ne3A_203, %eq3A_7 : vector<16xi1>
            %lt3A_205 = arith.constant 65536 : i32
            %lt3A_206 = vector.broadcast %lt3A_205 : i32 to vector<16xi32>
            %lt3A_207 = arith.cmpi slt, %shift_right_arithmetic3A_192, %lt3A_206 : vector<16xi32>
            %and3A_208 = arith.andi %or3A_204, %lt3A_207 : vector<16xi1>
            %min3A_209 = arith.constant 65535 : i32
            %min3A_210 = vector.broadcast %min3A_209 : i32 to vector<16xi32>
            %min3A_211 = arith.minsi %shift_right_arithmetic3A_192, %min3A_210 : vector<16xi32>
            tpu.vector_store_idx %arg7[%min3A_211], %masked_sort3A_188 masked %and3A_208 : memref<65536xf32, #tpu.memory_space<vmem>>[vector<16xi32>], vector<16xf32>, vector<16xi1>
            %mul3A_212 = arith.constant 4 : i32
            %mul3A_213 = arith.muli %scan3A_101, %mul3A_212 : i32
            %add3A_214 = arith.constant 2 : i32
            %add3A_215 = arith.addi %mul3A_213, %add3A_214 : i32
            %mul3A_216 = arith.constant 16 : i32
            %mul3A_217 = arith.muli %add3A_215, %mul3A_216 : i32
            %get3A_218 = arith.index_cast %mul3A_217 : i32 to index
            %get3A_219 = tpu.vector_load %arg8[%get3A_218] {strides = array<i32>} : memref<1024xi32, #tpu.memory_space<vmem>>, vector<16xi32>,
            %mul3A_220 = arith.constant 16 : i32
            %mul3A_221 = arith.muli %add3A_215, %mul3A_220 : i32
            %get3A_222 = arith.index_cast %mul3A_221 : i32 to index
            %get3A_223 = tpu.vector_load %arg9[%get3A_222] {strides = array<i32>} : memref<1024xf32, #tpu.memory_space<vmem>>, vector<16xf32>,
            %mul3A_224 = arith.constant 16 : i32
            %mul3A_225 = arith.muli %add3A_215, %mul3A_224 : i32
            %sub3A_226 = arith.subi %sub3A_95, %mul3A_225 : i32
            %lt3A_227 = vector.broadcast %sub3A_226 : i32 to vector<16xi32>
            %lt3A_228 = arith.cmpi slt, %iota3A, %lt3A_227 : vector<16xi32>
            %and3A_229 = arith.constant 65535 : i32
            %and3A_230 = vector.broadcast %and3A_229 : i32 to vector<16xi32>
            %and3A_231 = arith.andi %get3A_219, %and3A_230 : vector<16xi32>
            %shift_left3A_232 = arith.constant 4 : i32
            %shift_left3A_233 = vector.broadcast %shift_left3A_232 : i32 to vector<16xi32>
            %shift_left3A_234 = arith.shli %and3A_231, %shift_left3A_233 : vector<16xi32>
            %or3A_235 = arith.ori %shift_left3A_234, %iota3A : vector<16xi32>
            %add3A_236 = arith.constant 1048576 : i32
            %add3A_237 = vector.broadcast %add3A_236 : i32 to vector<16xi32>
            %add3A_238 = arith.addi %add3A_237, %iota3A : vector<16xi32>
            %select_n3A_239 = arith.select %lt3A_228, %or3A_235, %add3A_238 : vector<16xi1>, vector<16xi32>
            %masked_sort3A_240 = arith.constant dense<true> : vector<16xi1>
            %masked_sort3A_241 = arith.constant -2147483648 : i32
            %masked_sort3A_242 = vector.broadcast %masked_sort3A_241 : i32 to vector<16xi32>
            %masked_sort3A_243 = arith.xori %select_n3A_239, %masked_sort3A_242 : vector<16xi32>
            %masked_sort3A_244, %masked_sort3A_245, %masked_sort3A_246 = tpu.sort %masked_sort3A_243, %get3A_223 masked %masked_sort3A_240 : (vector<16xi32>, vector<16xf32>, vector<16xi1>) -> (vector<16xi1>, vector<16xi32>, vector<16xf32>)
            %masked_sort3A_247 = arith.xori %masked_sort3A_245, %masked_sort3A_242 : vector<16xi32>
            %shift_right_arithmetic3A_248 = arith.constant 4 : i32
            %shift_right_arithmetic3A_249 = vector.broadcast %shift_right_arithmetic3A_248 : i32 to vector<16xi32>
            %shift_right_arithmetic3A_250 = arith.shrsi %masked_sort3A_247, %shift_right_arithmetic3A_249 : vector<16xi32>
            %lt3A_251 = arith.constant 0 : i32
            %lt3A_252 = vector.broadcast %lt3A_251 : i32 to vector<16xi32>
            %lt3A_253 = arith.cmpi slt, %min3A_5, %lt3A_252 : vector<16xi32>
            %add3A_254 = arith.constant 16 : i32
            %add3A_255 = vector.broadcast %add3A_254 : i32 to vector<16xi32>
            %add3A_256 = arith.addi %min3A_5, %add3A_255 : vector<16xi32>
            %select_n3A_257 = arith.select %lt3A_253, %add3A_256, %min3A_5 : vector<16xi1>, vector<16xi32>
            %broadcast_in_dim3A_258 = vector.shape_cast %select_n3A_257 : vector<16xi32> to vector<16x1xi32>
            %gather3A_259 = vector.shape_cast %broadcast_in_dim3A_258 : vector<16x1xi32> to vector<16xi32>
            %gather3A_260 = tpu.dynamic_gather %shift_right_arithmetic3A_250[%gather3A_259] in [0] : vector<16xi32>, vector<16xi32> -> vector<16xi32>
            %ne3A_261 = arith.cmpi ne, %shift_right_arithmetic3A_250, %gather3A_260 : vector<16xi32>
            %or3A_262 = arith.ori %ne3A_261, %eq3A_7 : vector<16xi1>
            %lt3A_263 = arith.constant 65536 : i32
            %lt3A_264 = vector.broadcast %lt3A_263 : i32 to vector<16xi32>
            %lt3A_265 = arith.cmpi slt, %shift_right_arithmetic3A_250, %lt3A_264 : vector<16xi32>
            %and3A_266 = arith.andi %or3A_262, %lt3A_265 : vector<16xi1>
            %min3A_267 = arith.constant 65535 : i32
            %min3A_268 = vector.broadcast %min3A_267 : i32 to vector<16xi32>
            %min3A_269 = arith.minsi %shift_right_arithmetic3A_250, %min3A_268 : vector<16xi32>
            tpu.vector_store_idx %arg7[%min3A_269], %masked_sort3A_246 masked %and3A_266 : memref<65536xf32, #tpu.memory_space<vmem>>[vector<16xi32>], vector<16xf32>, vector<16xi1>
            %mul3A_270 = arith.constant 4 : i32
            %mul3A_271 = arith.muli %scan3A_101, %mul3A_270 : i32
            %add3A_272 = arith.constant 3 : i32
            %add3A_273 = arith.addi %mul3A_271, %add3A_272 : i32
            %mul3A_274 = arith.constant 16 : i32
            %mul3A_275 = arith.muli %add3A_273, %mul3A_274 : i32
            %get3A_276 = arith.index_cast %mul3A_275 : i32 to index
            %get3A_277 = tpu.vector_load %arg8[%get3A_276] {strides = array<i32>} : memref<1024xi32, #tpu.memory_space<vmem>>, vector<16xi32>,
            %mul3A_278 = arith.constant 16 : i32
            %mul3A_279 = arith.muli %add3A_273, %mul3A_278 : i32
            %get3A_280 = arith.index_cast %mul3A_279 : i32 to index
            %get3A_281 = tpu.vector_load %arg9[%get3A_280] {strides = array<i32>} : memref<1024xf32, #tpu.memory_space<vmem>>, vector<16xf32>,
            %mul3A_282 = arith.constant 16 : i32
            %mul3A_283 = arith.muli %add3A_273, %mul3A_282 : i32
            %sub3A_284 = arith.subi %sub3A_95, %mul3A_283 : i32
            %lt3A_285 = vector.broadcast %sub3A_284 : i32 to vector<16xi32>
            %lt3A_286 = arith.cmpi slt, %iota3A, %lt3A_285 : vector<16xi32>
            %and3A_287 = arith.constant 65535 : i32
            %and3A_288 = vector.broadcast %and3A_287 : i32 to vector<16xi32>
            %and3A_289 = arith.andi %get3A_277, %and3A_288 : vector<16xi32>
            %shift_left3A_290 = arith.constant 4 : i32
            %shift_left3A_291 = vector.broadcast %shift_left3A_290 : i32 to vector<16xi32>
            %shift_left3A_292 = arith.shli %and3A_289, %shift_left3A_291 : vector<16xi32>
            %or3A_293 = arith.ori %shift_left3A_292, %iota3A : vector<16xi32>
            %add3A_294 = arith.constant 1048576 : i32
            %add3A_295 = vector.broadcast %add3A_294 : i32 to vector<16xi32>
            %add3A_296 = arith.addi %add3A_295, %iota3A : vector<16xi32>
            %select_n3A_297 = arith.select %lt3A_286, %or3A_293, %add3A_296 : vector<16xi1>, vector<16xi32>
            %masked_sort3A_298 = arith.constant dense<true> : vector<16xi1>
            %masked_sort3A_299 = arith.constant -2147483648 : i32
            %masked_sort3A_300 = vector.broadcast %masked_sort3A_299 : i32 to vector<16xi32>
            %masked_sort3A_301 = arith.xori %select_n3A_297, %masked_sort3A_300 : vector<16xi32>
            %masked_sort3A_302, %masked_sort3A_303, %masked_sort3A_304 = tpu.sort %masked_sort3A_301, %get3A_281 masked %masked_sort3A_298 : (vector<16xi32>, vector<16xf32>, vector<16xi1>) -> (vector<16xi1>, vector<16xi32>, vector<16xf32>)
            %masked_sort3A_305 = arith.xori %masked_sort3A_303, %masked_sort3A_300 : vector<16xi32>
            %shift_right_arithmetic3A_306 = arith.constant 4 : i32
            %shift_right_arithmetic3A_307 = vector.broadcast %shift_right_arithmetic3A_306 : i32 to vector<16xi32>
            %shift_right_arithmetic3A_308 = arith.shrsi %masked_sort3A_305, %shift_right_arithmetic3A_307 : vector<16xi32>
            %lt3A_309 = arith.constant 0 : i32
            %lt3A_310 = vector.broadcast %lt3A_309 : i32 to vector<16xi32>
            %lt3A_311 = arith.cmpi slt, %min3A_5, %lt3A_310 : vector<16xi32>
            %add3A_312 = arith.constant 16 : i32
            %add3A_313 = vector.broadcast %add3A_312 : i32 to vector<16xi32>
            %add3A_314 = arith.addi %min3A_5, %add3A_313 : vector<16xi32>
            %select_n3A_315 = arith.select %lt3A_311, %add3A_314, %min3A_5 : vector<16xi1>, vector<16xi32>
            %broadcast_in_dim3A_316 = vector.shape_cast %select_n3A_315 : vector<16xi32> to vector<16x1xi32>
            %gather3A_317 = vector.shape_cast %broadcast_in_dim3A_316 : vector<16x1xi32> to vector<16xi32>
            %gather3A_318 = tpu.dynamic_gather %shift_right_arithmetic3A_308[%gather3A_317] in [0] : vector<16xi32>, vector<16xi32> -> vector<16xi32>
            %ne3A_319 = arith.cmpi ne, %shift_right_arithmetic3A_308, %gather3A_318 : vector<16xi32>
            %or3A_320 = arith.ori %ne3A_319, %eq3A_7 : vector<16xi1>
            %lt3A_321 = arith.constant 65536 : i32
            %lt3A_322 = vector.broadcast %lt3A_321 : i32 to vector<16xi32>
            %lt3A_323 = arith.cmpi slt, %shift_right_arithmetic3A_308, %lt3A_322 : vector<16xi32>
            %and3A_324 = arith.andi %or3A_320, %lt3A_323 : vector<16xi1>
            %min3A_325 = arith.constant 65535 : i32
            %min3A_326 = vector.broadcast %min3A_325 : i32 to vector<16xi32>
            %min3A_327 = arith.minsi %shift_right_arithmetic3A_308, %min3A_326 : vector<16xi32>
            tpu.vector_store_idx %arg7[%min3A_327], %masked_sort3A_304 masked %and3A_324 : memref<65536xf32, #tpu.memory_space<vmem>>[vector<16xi32>], vector<16xf32>, vector<16xi1>
          }
          %scan3A_100 = arith.constant 16 : i32
        }
      }
      %scan3A_36 = arith.constant 32 : i32
      %mul3A_37 = arith.constant 2097152 : i32
      %mul3A_38 = arith.muli %scan3A_20, %mul3A_37 : i32
      %mul3A_39 = arith.constant 65536 : i32
      %mul3A_40 = arith.muli %add3A, %mul3A_39 : i32
      %add3A_41 = arith.addi %mul3A_38, %mul3A_40 : i32
      "tpu.region"() ({
        %run_scoped3A = tpu.sem_alloc : memref<!tpu.dma_semaphore, #tpu.memory_space<semaphore_mem>>
        %dma_start3A = tpu.memref_slice %arg6[%add3A_41] : memref<10485760xf32, #tpu.memory_space<hbm>> -> memref<65536xf32, #tpu.memory_space<hbm>>
        %dma_start3A_42 = tpu.memref_slice %arg6[%add3A_41] : memref<10485760xf32, #tpu.memory_space<hbm>> -> memref<65536xf32, #tpu.memory_space<hbm>>
        tpu.enqueue_dma source(%arg7 : memref<65536xf32, #tpu.memory_space<vmem>>) target(%dma_start3A_42 : memref<65536xf32, #tpu.memory_space<hbm>>) target_semaphore(%run_scoped3A : memref<!tpu.dma_semaphore, #tpu.memory_space<semaphore_mem>>)
        %dma_wait3A = tpu.memref_slice %arg6[%add3A_41] : memref<10485760xf32, #tpu.memory_space<hbm>> -> memref<65536xf32, #tpu.memory_space<hbm>>
        %dma_wait3A_43 = tpu.memref_slice %arg6[%add3A_41] : memref<10485760xf32, #tpu.memory_space<hbm>> -> memref<65536xf32, #tpu.memory_space<hbm>>
        tpu.wait_dma2 semaphore(%run_scoped3A : memref<!tpu.dma_semaphore, #tpu.memory_space<semaphore_mem>>) src(%arg7 : memref<65536xf32, #tpu.memory_space<vmem>>) dst(%dma_wait3A_43 : memref<65536xf32, #tpu.memory_space<hbm>>)
        tpu.yield
      }) : () -> ()
    }
    %scan3A_19 = arith.constant 5 : i32
    return
  }
}

#map = affine_map<(d0, d1) -> (0, 0, 0)>
#map1 = affine_map<(d0, d1) -> (0)>
module attributes {stable_mosaic.version = 14 : i64} {
  func.func @_rk_body(%arg0: i32, %arg1: i32, %arg2: memref<5x8192x128xi32, #tpu.memory_space<hbm>>, %arg3: memref<5x8192x128xf32, #tpu.memory_space<hbm>>, %arg4: memref<5488640xi32, #tpu.memory_space<hbm>>, %arg5: memref<5488640xf32, #tpu.memory_space<hbm>>, %arg6: memref<5120xi32, #tpu.memory_space<hbm>>, %arg7: memref<5120xi32, #tpu.memory_space<hbm>>, %arg8: memref<256x128xi32, #tpu.memory_space<vmem>>, %arg9: memref<64x128xf32, #tpu.memory_space<vmem>>, %arg10: memref<512xi32, #tpu.memory_space<vmem>>, %arg11: memref<32xi32, #tpu.memory_space<vmem>>, %arg12: memref<32xi32, #tpu.memory_space<vmem>>, %arg13: memref<32xi32, #tpu.memory_space<vmem>>, %arg14: memref<33280xi32, #tpu.memory_space<vmem>>, %arg15: memref<33280xf32, #tpu.memory_space<vmem>>, %arg16: memref<!tpu.dma_semaphore, #tpu.memory_space<semaphore_mem>>) attributes {dimension_semantics = [#tpu.dimension_semantics<core_parallel>, #tpu.dimension_semantics<subcore_parallel>], iteration_bounds = array<i64: 2, 16>, scalar_prefetch = 0 : i64, scratch_operands = 9 : i64, tpu.core_type = #tpu.core_type<sc_vector_subcore>, window_params = [{transform_indices = #map}, {transform_indices = #map}, {transform_indices = #map1}, {transform_indices = #map1}, {transform_indices = #map1}, {transform_indices = #map1}]} {
    %mul3A = arith.constant 2 : i32
    %mul3A_0 = arith.muli %arg1, %mul3A : i32
    %add3A = arith.addi %mul3A_0, %arg0 : i32
    %iota3A = tpu.iota {dimensions = array<i32: 0>} : vector<16xi32>
    %sub3A = arith.constant 1 : i32
    %sub3A_1 = vector.broadcast %sub3A : i32 to vector<16xi32>
    %sub3A_2 = arith.subi %iota3A, %sub3A_1 : vector<16xi32>
    %max3A = arith.constant 0 : i32
    %max3A_3 = vector.broadcast %max3A : i32 to vector<16xi32>
    %max3A_4 = arith.maxsi %sub3A_2, %max3A_3 : vector<16xi32>
    %add3A_5 = arith.constant 1 : i32
    %add3A_6 = vector.broadcast %add3A_5 : i32 to vector<16xi32>
    %add3A_7 = arith.addi %iota3A, %add3A_6 : vector<16xi32>
    %min3A = arith.constant 15 : i32
    %min3A_8 = vector.broadcast %min3A : i32 to vector<16xi32>
    %min3A_9 = arith.minsi %add3A_7, %min3A_8 : vector<16xi32>
    %eq3A = arith.constant 0 : i32
    %eq3A_10 = vector.broadcast %eq3A : i32 to vector<16xi32>
    %eq3A_11 = arith.cmpi eq, %iota3A, %eq3A_10 : vector<16xi32>
    %eq3A_12 = arith.constant 15 : i32
    %eq3A_13 = vector.broadcast %eq3A_12 : i32 to vector<16xi32>
    %eq3A_14 = arith.cmpi eq, %iota3A, %eq3A_13 : vector<16xi32>
    %broadcast_in_dim3A = arith.constant 0 : i32
    %broadcast_in_dim3A_15 = vector.broadcast %broadcast_in_dim3A : i32 to vector<16xi32>
    %broadcast_in_dim3A_16 = arith.constant 1 : i32
    %broadcast_in_dim3A_17 = vector.broadcast %broadcast_in_dim3A_16 : i32 to vector<16xi32>
    %scan3A = arith.constant 0 : i32
    %scan3A_18 = arith.constant 0 : i32
    %scan3A_19 = arith.constant 5 : i32
    %scan3A_20 = arith.addi %scan3A_18, %scan3A_19 : i32
    %scan3A_21 = arith.constant 1 : i32
    scf.for %scan3A_23 = %scan3A_18 to %scan3A_20 step %scan3A_21  : i32 {
      %swap3A = arith.constant 0 : index
      %swap3A_24 = tpu.vector_load %arg10[%swap3A] {strides = array<i32>} : memref<512xi32, #tpu.memory_space<vmem>>, vector<16xi32>,
      tpu.vector_store %arg10[%swap3A], %broadcast_in_dim3A_15 {strides = array<i32>} : memref<512xi32, #tpu.memory_space<vmem>>, vector<16xi32>,
      %swap3A_25 = arith.constant 16 : index
      %swap3A_26 = tpu.vector_load %arg10[%swap3A_25] {strides = array<i32>} : memref<512xi32, #tpu.memory_space<vmem>>, vector<16xi32>,
      tpu.vector_store %arg10[%swap3A_25], %broadcast_in_dim3A_15 {strides = array<i32>} : memref<512xi32, #tpu.memory_space<vmem>>, vector<16xi32>,
      %swap3A_27 = arith.constant 32 : index
      %swap3A_28 = tpu.vector_load %arg10[%swap3A_27] {strides = array<i32>} : memref<512xi32, #tpu.memory_space<vmem>>, vector<16xi32>,
      tpu.vector_store %arg10[%swap3A_27], %broadcast_in_dim3A_15 {strides = array<i32>} : memref<512xi32, #tpu.memory_space<vmem>>, vector<16xi32>,
      %swap3A_29 = arith.constant 48 : index
      %swap3A_30 = tpu.vector_load %arg10[%swap3A_29] {strides = array<i32>} : memref<512xi32, #tpu.memory_space<vmem>>, vector<16xi32>,
      tpu.vector_store %arg10[%swap3A_29], %broadcast_in_dim3A_15 {strides = array<i32>} : memref<512xi32, #tpu.memory_space<vmem>>, vector<16xi32>,
      %swap3A_31 = arith.constant 64 : index
      %swap3A_32 = tpu.vector_load %arg10[%swap3A_31] {strides = array<i32>} : memref<512xi32, #tpu.memory_space<vmem>>, vector<16xi32>,
      tpu.vector_store %arg10[%swap3A_31], %broadcast_in_dim3A_15 {strides = array<i32>} : memref<512xi32, #tpu.memory_space<vmem>>, vector<16xi32>,
      %swap3A_33 = arith.constant 80 : index
      %swap3A_34 = tpu.vector_load %arg10[%swap3A_33] {strides = array<i32>} : memref<512xi32, #tpu.memory_space<vmem>>, vector<16xi32>,
      tpu.vector_store %arg10[%swap3A_33], %broadcast_in_dim3A_15 {strides = array<i32>} : memref<512xi32, #tpu.memory_space<vmem>>, vector<16xi32>,
      %swap3A_35 = arith.constant 96 : index
      %swap3A_36 = tpu.vector_load %arg10[%swap3A_35] {strides = array<i32>} : memref<512xi32, #tpu.memory_space<vmem>>, vector<16xi32>,
      tpu.vector_store %arg10[%swap3A_35], %broadcast_in_dim3A_15 {strides = array<i32>} : memref<512xi32, #tpu.memory_space<vmem>>, vector<16xi32>,
      %swap3A_37 = arith.constant 112 : index
      %swap3A_38 = tpu.vector_load %arg10[%swap3A_37] {strides = array<i32>} : memref<512xi32, #tpu.memory_space<vmem>>, vector<16xi32>,
      tpu.vector_store %arg10[%swap3A_37], %broadcast_in_dim3A_15 {strides = array<i32>} : memref<512xi32, #tpu.memory_space<vmem>>, vector<16xi32>,
      %swap3A_39 = arith.constant 128 : index
      %swap3A_40 = tpu.vector_load %arg10[%swap3A_39] {strides = array<i32>} : memref<512xi32, #tpu.memory_space<vmem>>, vector<16xi32>,
      tpu.vector_store %arg10[%swap3A_39], %broadcast_in_dim3A_15 {strides = array<i32>} : memref<512xi32, #tpu.memory_space<vmem>>, vector<16xi32>,
      %swap3A_41 = arith.constant 144 : index
      %swap3A_42 = tpu.vector_load %arg10[%swap3A_41] {strides = array<i32>} : memref<512xi32, #tpu.memory_space<vmem>>, vector<16xi32>,
      tpu.vector_store %arg10[%swap3A_41], %broadcast_in_dim3A_15 {strides = array<i32>} : memref<512xi32, #tpu.memory_space<vmem>>, vector<16xi32>,
      %swap3A_43 = arith.constant 160 : index
      %swap3A_44 = tpu.vector_load %arg10[%swap3A_43] {strides = array<i32>} : memref<512xi32, #tpu.memory_space<vmem>>, vector<16xi32>,
      tpu.vector_store %arg10[%swap3A_43], %broadcast_in_dim3A_15 {strides = array<i32>} : memref<512xi32, #tpu.memory_space<vmem>>, vector<16xi32>,
      %swap3A_45 = arith.constant 176 : index
      %swap3A_46 = tpu.vector_load %arg10[%swap3A_45] {strides = array<i32>} : memref<512xi32, #tpu.memory_space<vmem>>, vector<16xi32>,
      tpu.vector_store %arg10[%swap3A_45], %broadcast_in_dim3A_15 {strides = array<i32>} : memref<512xi32, #tpu.memory_space<vmem>>, vector<16xi32>,
      %swap3A_47 = arith.constant 192 : index
      %swap3A_48 = tpu.vector_load %arg10[%swap3A_47] {strides = array<i32>} : memref<512xi32, #tpu.memory_space<vmem>>, vector<16xi32>,
      tpu.vector_store %arg10[%swap3A_47], %broadcast_in_dim3A_15 {strides = array<i32>} : memref<512xi32, #tpu.memory_space<vmem>>, vector<16xi32>,
      %swap3A_49 = arith.constant 208 : index
      %swap3A_50 = tpu.vector_load %arg10[%swap3A_49] {strides = array<i32>} : memref<512xi32, #tpu.memory_space<vmem>>, vector<16xi32>,
      tpu.vector_store %arg10[%swap3A_49], %broadcast_in_dim3A_15 {strides = array<i32>} : memref<512xi32, #tpu.memory_space<vmem>>, vector<16xi32>,
      %swap3A_51 = arith.constant 224 : index
      %swap3A_52 = tpu.vector_load %arg10[%swap3A_51] {strides = array<i32>} : memref<512xi32, #tpu.memory_space<vmem>>, vector<16xi32>,
      tpu.vector_store %arg10[%swap3A_51], %broadcast_in_dim3A_15 {strides = array<i32>} : memref<512xi32, #tpu.memory_space<vmem>>, vector<16xi32>,
      %swap3A_53 = arith.constant 240 : index
      %swap3A_54 = tpu.vector_load %arg10[%swap3A_53] {strides = array<i32>} : memref<512xi32, #tpu.memory_space<vmem>>, vector<16xi32>,
      tpu.vector_store %arg10[%swap3A_53], %broadcast_in_dim3A_15 {strides = array<i32>} : memref<512xi32, #tpu.memory_space<vmem>>, vector<16xi32>,
      %swap3A_55 = arith.constant 256 : index
      %swap3A_56 = tpu.vector_load %arg10[%swap3A_55] {strides = array<i32>} : memref<512xi32, #tpu.memory_space<vmem>>, vector<16xi32>,
      tpu.vector_store %arg10[%swap3A_55], %broadcast_in_dim3A_15 {strides = array<i32>} : memref<512xi32, #tpu.memory_space<vmem>>, vector<16xi32>,
      %swap3A_57 = arith.constant 272 : index
      %swap3A_58 = tpu.vector_load %arg10[%swap3A_57] {strides = array<i32>} : memref<512xi32, #tpu.memory_space<vmem>>, vector<16xi32>,
      tpu.vector_store %arg10[%swap3A_57], %broadcast_in_dim3A_15 {strides = array<i32>} : memref<512xi32, #tpu.memory_space<vmem>>, vector<16xi32>,
      %swap3A_59 = arith.constant 288 : index
      %swap3A_60 = tpu.vector_load %arg10[%swap3A_59] {strides = array<i32>} : memref<512xi32, #tpu.memory_space<vmem>>, vector<16xi32>,
      tpu.vector_store %arg10[%swap3A_59], %broadcast_in_dim3A_15 {strides = array<i32>} : memref<512xi32, #tpu.memory_space<vmem>>, vector<16xi32>,
      %swap3A_61 = arith.constant 304 : index
      %swap3A_62 = tpu.vector_load %arg10[%swap3A_61] {strides = array<i32>} : memref<512xi32, #tpu.memory_space<vmem>>, vector<16xi32>,
      tpu.vector_store %arg10[%swap3A_61], %broadcast_in_dim3A_15 {strides = array<i32>} : memref<512xi32, #tpu.memory_space<vmem>>, vector<16xi32>,
      %swap3A_63 = arith.constant 320 : index
      %swap3A_64 = tpu.vector_load %arg10[%swap3A_63] {strides = array<i32>} : memref<512xi32, #tpu.memory_space<vmem>>, vector<16xi32>,
      tpu.vector_store %arg10[%swap3A_63], %broadcast_in_dim3A_15 {strides = array<i32>} : memref<512xi32, #tpu.memory_space<vmem>>, vector<16xi32>,
      %swap3A_65 = arith.constant 336 : index
      %swap3A_66 = tpu.vector_load %arg10[%swap3A_65] {strides = array<i32>} : memref<512xi32, #tpu.memory_space<vmem>>, vector<16xi32>,
      tpu.vector_store %arg10[%swap3A_65], %broadcast_in_dim3A_15 {strides = array<i32>} : memref<512xi32, #tpu.memory_space<vmem>>, vector<16xi32>,
      %swap3A_67 = arith.constant 352 : index
      %swap3A_68 = tpu.vector_load %arg10[%swap3A_67] {strides = array<i32>} : memref<512xi32, #tpu.memory_space<vmem>>, vector<16xi32>,
      tpu.vector_store %arg10[%swap3A_67], %broadcast_in_dim3A_15 {strides = array<i32>} : memref<512xi32, #tpu.memory_space<vmem>>, vector<16xi32>,
      %swap3A_69 = arith.constant 368 : index
      %swap3A_70 = tpu.vector_load %arg10[%swap3A_69] {strides = array<i32>} : memref<512xi32, #tpu.memory_space<vmem>>, vector<16xi32>,
      tpu.vector_store %arg10[%swap3A_69], %broadcast_in_dim3A_15 {strides = array<i32>} : memref<512xi32, #tpu.memory_space<vmem>>, vector<16xi32>,
      %swap3A_71 = arith.constant 384 : index
      %swap3A_72 = tpu.vector_load %arg10[%swap3A_71] {strides = array<i32>} : memref<512xi32, #tpu.memory_space<vmem>>, vector<16xi32>,
      tpu.vector_store %arg10[%swap3A_71], %broadcast_in_dim3A_15 {strides = array<i32>} : memref<512xi32, #tpu.memory_space<vmem>>, vector<16xi32>,
      %swap3A_73 = arith.constant 400 : index
      %swap3A_74 = tpu.vector_load %arg10[%swap3A_73] {strides = array<i32>} : memref<512xi32, #tpu.memory_space<vmem>>, vector<16xi32>,
      tpu.vector_store %arg10[%swap3A_73], %broadcast_in_dim3A_15 {strides = array<i32>} : memref<512xi32, #tpu.memory_space<vmem>>, vector<16xi32>,
      %swap3A_75 = arith.constant 416 : index
      %swap3A_76 = tpu.vector_load %arg10[%swap3A_75] {strides = array<i32>} : memref<512xi32, #tpu.memory_space<vmem>>, vector<16xi32>,
      tpu.vector_store %arg10[%swap3A_75], %broadcast_in_dim3A_15 {strides = array<i32>} : memref<512xi32, #tpu.memory_space<vmem>>, vector<16xi32>,
      %swap3A_77 = arith.constant 432 : index
      %swap3A_78 = tpu.vector_load %arg10[%swap3A_77] {strides = array<i32>} : memref<512xi32, #tpu.memory_space<vmem>>, vector<16xi32>,
      tpu.vector_store %arg10[%swap3A_77], %broadcast_in_dim3A_15 {strides = array<i32>} : memref<512xi32, #tpu.memory_space<vmem>>, vector<16xi32>,
      %swap3A_79 = arith.constant 448 : index
      %swap3A_80 = tpu.vector_load %arg10[%swap3A_79] {strides = array<i32>} : memref<512xi32, #tpu.memory_space<vmem>>, vector<16xi32>,
      tpu.vector_store %arg10[%swap3A_79], %broadcast_in_dim3A_15 {strides = array<i32>} : memref<512xi32, #tpu.memory_space<vmem>>, vector<16xi32>,
      %swap3A_81 = arith.constant 464 : index
      %swap3A_82 = tpu.vector_load %arg10[%swap3A_81] {strides = array<i32>} : memref<512xi32, #tpu.memory_space<vmem>>, vector<16xi32>,
      tpu.vector_store %arg10[%swap3A_81], %broadcast_in_dim3A_15 {strides = array<i32>} : memref<512xi32, #tpu.memory_space<vmem>>, vector<16xi32>,
      %swap3A_83 = arith.constant 480 : index
      %swap3A_84 = tpu.vector_load %arg10[%swap3A_83] {strides = array<i32>} : memref<512xi32, #tpu.memory_space<vmem>>, vector<16xi32>,
      tpu.vector_store %arg10[%swap3A_83], %broadcast_in_dim3A_15 {strides = array<i32>} : memref<512xi32, #tpu.memory_space<vmem>>, vector<16xi32>,
      %swap3A_85 = arith.constant 496 : index
      %swap3A_86 = tpu.vector_load %arg10[%swap3A_85] {strides = array<i32>} : memref<512xi32, #tpu.memory_space<vmem>>, vector<16xi32>,
      tpu.vector_store %arg10[%swap3A_85], %broadcast_in_dim3A_15 {strides = array<i32>} : memref<512xi32, #tpu.memory_space<vmem>>, vector<16xi32>,
      %mul3A_87 = arith.constant 32768 : i32
      %mul3A_88 = arith.muli %add3A, %mul3A_87 : i32
      %shift_right_arithmetic3A = arith.constant 7 : i32
      %shift_right_arithmetic3A_89 = arith.shrsi %mul3A_88, %shift_right_arithmetic3A : i32
      %add3A_90 = arith.constant 0 : i32
      %add3A_91 = arith.addi %shift_right_arithmetic3A_89, %add3A_90 : i32
      %multiple_of3A = tpu.assume_multiple %add3A_91, 8 : i32
      %dma_start3A = arith.constant 0 : i32
      %dma_start3A_92 = arith.constant 0 : i32
      %dma_start3A_93 = tpu.memref_slice %arg8[%dma_start3A, %dma_start3A_92] : memref<256x128xi32, #tpu.memory_space<vmem>> -> memref<64x128xi32, #tpu.memory_space<vmem>>
      %dma_start3A_94 = arith.constant 0 : i32
      %dma_start3A_95 = tpu.memref_slice %arg2[%scan3A_23, %multiple_of3A, %dma_start3A_94] : memref<5x8192x128xi32, #tpu.memory_space<hbm>> -> memref<1x64x128xi32, #tpu.memory_space<hbm>>
      %dma_start3A_96 = tpu.memref_squeeze %dma_start3A_95 : memref<1x64x128xi32, #tpu.memory_space<hbm>> -> memref<64x128xi32, #tpu.memory_space<hbm>>
      %dma_start3A_97 = arith.constant 0 : i32
      %dma_start3A_98 = arith.constant 0 : i32
      %dma_start3A_99 = tpu.memref_slice %arg8[%dma_start3A_97, %dma_start3A_98] : memref<256x128xi32, #tpu.memory_space<vmem>> -> memref<64x128xi32, #tpu.memory_space<vmem>>
      %dma_start3A_100 = arith.constant 0 : i32
      %dma_start3A_101 = tpu.memref_slice %arg2[%scan3A_23, %multiple_of3A, %dma_start3A_100] : memref<5x8192x128xi32, #tpu.memory_space<hbm>> -> memref<1x64x128xi32, #tpu.memory_space<hbm>>
      %dma_start3A_102 = tpu.memref_squeeze %dma_start3A_101 : memref<1x64x128xi32, #tpu.memory_space<hbm>> -> memref<64x128xi32, #tpu.memory_space<hbm>>
      tpu.enqueue_dma source(%dma_start3A_102 : memref<64x128xi32, #tpu.memory_space<hbm>>) target(%dma_start3A_99 : memref<64x128xi32, #tpu.memory_space<vmem>>) target_semaphore(%arg16 : memref<!tpu.dma_semaphore, #tpu.memory_space<semaphore_mem>>)
      %add3A_103 = arith.constant 64 : i32
      %add3A_104 = arith.addi %shift_right_arithmetic3A_89, %add3A_103 : i32
      %multiple_of3A_105 = tpu.assume_multiple %add3A_104, 8 : i32
      %dma_start3A_106 = arith.constant 64 : i32
      %dma_start3A_107 = arith.constant 0 : i32
      %dma_start3A_108 = tpu.memref_slice %arg8[%dma_start3A_106, %dma_start3A_107] : memref<256x128xi32, #tpu.memory_space<vmem>> -> memref<64x128xi32, #tpu.memory_space<vmem>>
      %dma_start3A_109 = arith.constant 0 : i32
      %dma_start3A_110 = tpu.memref_slice %arg2[%scan3A_23, %multiple_of3A_105, %dma_start3A_109] : memref<5x8192x128xi32, #tpu.memory_space<hbm>> -> memref<1x64x128xi32, #tpu.memory_space<hbm>>
      %dma_start3A_111 = tpu.memref_squeeze %dma_start3A_110 : memref<1x64x128xi32, #tpu.memory_space<hbm>> -> memref<64x128xi32, #tpu.memory_space<hbm>>
      %dma_start3A_112 = arith.constant 64 : i32
      %dma_start3A_113 = arith.constant 0 : i32
      %dma_start3A_114 = tpu.memref_slice %arg8[%dma_start3A_112, %dma_start3A_113] : memref<256x128xi32, #tpu.memory_space<vmem>> -> memref<64x128xi32, #tpu.memory_space<vmem>>
      %dma_start3A_115 = arith.constant 0 : i32
      %dma_start3A_116 = tpu.memref_slice %arg2[%scan3A_23, %multiple_of3A_105, %dma_start3A_115] : memref<5x8192x128xi32, #tpu.memory_space<hbm>> -> memref<1x64x128xi32, #tpu.memory_space<hbm>>
      %dma_start3A_117 = tpu.memref_squeeze %dma_start3A_116 : memref<1x64x128xi32, #tpu.memory_space<hbm>> -> memref<64x128xi32, #tpu.memory_space<hbm>>
      tpu.enqueue_dma source(%dma_start3A_117 : memref<64x128xi32, #tpu.memory_space<hbm>>) target(%dma_start3A_114 : memref<64x128xi32, #tpu.memory_space<vmem>>) target_semaphore(%arg16 : memref<!tpu.dma_semaphore, #tpu.memory_space<semaphore_mem>>)
      %add3A_118 = arith.constant 128 : i32
      %add3A_119 = arith.addi %shift_right_arithmetic3A_89, %add3A_118 : i32
      %multiple_of3A_120 = tpu.assume_multiple %add3A_119, 8 : i32
      %dma_start3A_121 = arith.constant 128 : i32
      %dma_start3A_122 = arith.constant 0 : i32
      %dma_start3A_123 = tpu.memref_slice %arg8[%dma_start3A_121, %dma_start3A_122] : memref<256x128xi32, #tpu.memory_space<vmem>> -> memref<64x128xi32, #tpu.memory_space<vmem>>
      %dma_start3A_124 = arith.constant 0 : i32
      %dma_start3A_125 = tpu.memref_slice %arg2[%scan3A_23, %multiple_of3A_120, %dma_start3A_124] : memref<5x8192x128xi32, #tpu.memory_space<hbm>> -> memref<1x64x128xi32, #tpu.memory_space<hbm>>
      %dma_start3A_126 = tpu.memref_squeeze %dma_start3A_125 : memref<1x64x128xi32, #tpu.memory_space<hbm>> -> memref<64x128xi32, #tpu.memory_space<hbm>>
      %dma_start3A_127 = arith.constant 128 : i32
      %dma_start3A_128 = arith.constant 0 : i32
      %dma_start3A_129 = tpu.memref_slice %arg8[%dma_start3A_127, %dma_start3A_128] : memref<256x128xi32, #tpu.memory_space<vmem>> -> memref<64x128xi32, #tpu.memory_space<vmem>>
      %dma_start3A_130 = arith.constant 0 : i32
      %dma_start3A_131 = tpu.memref_slice %arg2[%scan3A_23, %multiple_of3A_120, %dma_start3A_130] : memref<5x8192x128xi32, #tpu.memory_space<hbm>> -> memref<1x64x128xi32, #tpu.memory_space<hbm>>
      %dma_start3A_132 = tpu.memref_squeeze %dma_start3A_131 : memref<1x64x128xi32, #tpu.memory_space<hbm>> -> memref<64x128xi32, #tpu.memory_space<hbm>>
      tpu.enqueue_dma source(%dma_start3A_132 : memref<64x128xi32, #tpu.memory_space<hbm>>) target(%dma_start3A_129 : memref<64x128xi32, #tpu.memory_space<vmem>>) target_semaphore(%arg16 : memref<!tpu.dma_semaphore, #tpu.memory_space<semaphore_mem>>)
      %add3A_133 = arith.constant 192 : i32
      %add3A_134 = arith.addi %shift_right_arithmetic3A_89, %add3A_133 : i32
      %multiple_of3A_135 = tpu.assume_multiple %add3A_134, 8 : i32
      %dma_start3A_136 = arith.constant 192 : i32
      %dma_start3A_137 = arith.constant 0 : i32
      %dma_start3A_138 = tpu.memref_slice %arg8[%dma_start3A_136, %dma_start3A_137] : memref<256x128xi32, #tpu.memory_space<vmem>> -> memref<64x128xi32, #tpu.memory_space<vmem>>
      %dma_start3A_139 = arith.constant 0 : i32
      %dma_start3A_140 = tpu.memref_slice %arg2[%scan3A_23, %multiple_of3A_135, %dma_start3A_139] : memref<5x8192x128xi32, #tpu.memory_space<hbm>> -> memref<1x64x128xi32, #tpu.memory_space<hbm>>
      %dma_start3A_141 = tpu.memref_squeeze %dma_start3A_140 : memref<1x64x128xi32, #tpu.memory_space<hbm>> -> memref<64x128xi32, #tpu.memory_space<hbm>>
      %dma_start3A_142 = arith.constant 192 : i32
      %dma_start3A_143 = arith.constant 0 : i32
      %dma_start3A_144 = tpu.memref_slice %arg8[%dma_start3A_142, %dma_start3A_143] : memref<256x128xi32, #tpu.memory_space<vmem>> -> memref<64x128xi32, #tpu.memory_space<vmem>>
      %dma_start3A_145 = arith.constant 0 : i32
      %dma_start3A_146 = tpu.memref_slice %arg2[%scan3A_23, %multiple_of3A_135, %dma_start3A_145] : memref<5x8192x128xi32, #tpu.memory_space<hbm>> -> memref<1x64x128xi32, #tpu.memory_space<hbm>>
      %dma_start3A_147 = tpu.memref_squeeze %dma_start3A_146 : memref<1x64x128xi32, #tpu.memory_space<hbm>> -> memref<64x128xi32, #tpu.memory_space<hbm>>
      tpu.enqueue_dma source(%dma_start3A_147 : memref<64x128xi32, #tpu.memory_space<hbm>>) target(%dma_start3A_144 : memref<64x128xi32, #tpu.memory_space<vmem>>) target_semaphore(%arg16 : memref<!tpu.dma_semaphore, #tpu.memory_space<semaphore_mem>>)
      %dma_wait3A = arith.constant 0 : i32
      %dma_wait3A_148 = arith.constant 0 : i32
      %dma_wait3A_149 = tpu.memref_slice %arg8[%dma_wait3A, %dma_wait3A_148] : memref<256x128xi32, #tpu.memory_space<vmem>> -> memref<64x128xi32, #tpu.memory_space<vmem>>
      %dma_wait3A_150 = arith.constant 0 : i32
      %dma_wait3A_151 = tpu.memref_slice %arg2[%scan3A_23, %multiple_of3A, %dma_wait3A_150] : memref<5x8192x128xi32, #tpu.memory_space<hbm>> -> memref<1x64x128xi32, #tpu.memory_space<hbm>>
      %dma_wait3A_152 = tpu.memref_squeeze %dma_wait3A_151 : memref<1x64x128xi32, #tpu.memory_space<hbm>> -> memref<64x128xi32, #tpu.memory_space<hbm>>
      %dma_wait3A_153 = arith.constant 0 : i32
      %dma_wait3A_154 = arith.constant 0 : i32
      %dma_wait3A_155 = tpu.memref_slice %arg8[%dma_wait3A_153, %dma_wait3A_154] : memref<256x128xi32, #tpu.memory_space<vmem>> -> memref<64x128xi32, #tpu.memory_space<vmem>>
      %dma_wait3A_156 = arith.constant 0 : i32
      %dma_wait3A_157 = tpu.memref_slice %arg2[%scan3A_23, %multiple_of3A, %dma_wait3A_156] : memref<5x8192x128xi32, #tpu.memory_space<hbm>> -> memref<1x64x128xi32, #tpu.memory_space<hbm>>
      %dma_wait3A_158 = tpu.memref_squeeze %dma_wait3A_157 : memref<1x64x128xi32, #tpu.memory_space<hbm>> -> memref<64x128xi32, #tpu.memory_space<hbm>>
      tpu.wait_dma2 semaphore(%arg16 : memref<!tpu.dma_semaphore, #tpu.memory_space<semaphore_mem>>) src(%dma_wait3A_158 : memref<64x128xi32, #tpu.memory_space<hbm>>) dst(%dma_wait3A_155 : memref<64x128xi32, #tpu.memory_space<vmem>>)
      %dma_wait3A_159 = arith.constant 64 : i32
      %dma_wait3A_160 = arith.constant 0 : i32
      %dma_wait3A_161 = tpu.memref_slice %arg8[%dma_wait3A_159, %dma_wait3A_160] : memref<256x128xi32, #tpu.memory_space<vmem>> -> memref<64x128xi32, #tpu.memory_space<vmem>>
      %dma_wait3A_162 = arith.constant 0 : i32
      %dma_wait3A_163 = tpu.memref_slice %arg2[%scan3A_23, %multiple_of3A_105, %dma_wait3A_162] : memref<5x8192x128xi32, #tpu.memory_space<hbm>> -> memref<1x64x128xi32, #tpu.memory_space<hbm>>
      %dma_wait3A_164 = tpu.memref_squeeze %dma_wait3A_163 : memref<1x64x128xi32, #tpu.memory_space<hbm>> -> memref<64x128xi32, #tpu.memory_space<hbm>>
      %dma_wait3A_165 = arith.constant 64 : i32
      %dma_wait3A_166 = arith.constant 0 : i32
      %dma_wait3A_167 = tpu.memref_slice %arg8[%dma_wait3A_165, %dma_wait3A_166] : memref<256x128xi32, #tpu.memory_space<vmem>> -> memref<64x128xi32, #tpu.memory_space<vmem>>
      %dma_wait3A_168 = arith.constant 0 : i32
      %dma_wait3A_169 = tpu.memref_slice %arg2[%scan3A_23, %multiple_of3A_105, %dma_wait3A_168] : memref<5x8192x128xi32, #tpu.memory_space<hbm>> -> memref<1x64x128xi32, #tpu.memory_space<hbm>>
      %dma_wait3A_170 = tpu.memref_squeeze %dma_wait3A_169 : memref<1x64x128xi32, #tpu.memory_space<hbm>> -> memref<64x128xi32, #tpu.memory_space<hbm>>
      tpu.wait_dma2 semaphore(%arg16 : memref<!tpu.dma_semaphore, #tpu.memory_space<semaphore_mem>>) src(%dma_wait3A_170 : memref<64x128xi32, #tpu.memory_space<hbm>>) dst(%dma_wait3A_167 : memref<64x128xi32, #tpu.memory_space<vmem>>)
      %dma_wait3A_171 = arith.constant 128 : i32
      %dma_wait3A_172 = arith.constant 0 : i32
      %dma_wait3A_173 = tpu.memref_slice %arg8[%dma_wait3A_171, %dma_wait3A_172] : memref<256x128xi32, #tpu.memory_space<vmem>> -> memref<64x128xi32, #tpu.memory_space<vmem>>
      %dma_wait3A_174 = arith.constant 0 : i32
      %dma_wait3A_175 = tpu.memref_slice %arg2[%scan3A_23, %multiple_of3A_120, %dma_wait3A_174] : memref<5x8192x128xi32, #tpu.memory_space<hbm>> -> memref<1x64x128xi32, #tpu.memory_space<hbm>>
      %dma_wait3A_176 = tpu.memref_squeeze %dma_wait3A_175 : memref<1x64x128xi32, #tpu.memory_space<hbm>> -> memref<64x128xi32, #tpu.memory_space<hbm>>
      %dma_wait3A_177 = arith.constant 128 : i32
      %dma_wait3A_178 = arith.constant 0 : i32
      %dma_wait3A_179 = tpu.memref_slice %arg8[%dma_wait3A_177, %dma_wait3A_178] : memref<256x128xi32, #tpu.memory_space<vmem>> -> memref<64x128xi32, #tpu.memory_space<vmem>>
      %dma_wait3A_180 = arith.constant 0 : i32
      %dma_wait3A_181 = tpu.memref_slice %arg2[%scan3A_23, %multiple_of3A_120, %dma_wait3A_180] : memref<5x8192x128xi32, #tpu.memory_space<hbm>> -> memref<1x64x128xi32, #tpu.memory_space<hbm>>
      %dma_wait3A_182 = tpu.memref_squeeze %dma_wait3A_181 : memref<1x64x128xi32, #tpu.memory_space<hbm>> -> memref<64x128xi32, #tpu.memory_space<hbm>>
      tpu.wait_dma2 semaphore(%arg16 : memref<!tpu.dma_semaphore, #tpu.memory_space<semaphore_mem>>) src(%dma_wait3A_182 : memref<64x128xi32, #tpu.memory_space<hbm>>) dst(%dma_wait3A_179 : memref<64x128xi32, #tpu.memory_space<vmem>>)
      %dma_wait3A_183 = arith.constant 192 : i32
      %dma_wait3A_184 = arith.constant 0 : i32
      %dma_wait3A_185 = tpu.memref_slice %arg8[%dma_wait3A_183, %dma_wait3A_184] : memref<256x128xi32, #tpu.memory_space<vmem>> -> memref<64x128xi32, #tpu.memory_space<vmem>>
      %dma_wait3A_186 = arith.constant 0 : i32
      %dma_wait3A_187 = tpu.memref_slice %arg2[%scan3A_23, %multiple_of3A_135, %dma_wait3A_186] : memref<5x8192x128xi32, #tpu.memory_space<hbm>> -> memref<1x64x128xi32, #tpu.memory_space<hbm>>
      %dma_wait3A_188 = tpu.memref_squeeze %dma_wait3A_187 : memref<1x64x128xi32, #tpu.memory_space<hbm>> -> memref<64x128xi32, #tpu.memory_space<hbm>>
      %dma_wait3A_189 = arith.constant 192 : i32
      %dma_wait3A_190 = arith.constant 0 : i32
      %dma_wait3A_191 = tpu.memref_slice %arg8[%dma_wait3A_189, %dma_wait3A_190] : memref<256x128xi32, #tpu.memory_space<vmem>> -> memref<64x128xi32, #tpu.memory_space<vmem>>
      %dma_wait3A_192 = arith.constant 0 : i32
      %dma_wait3A_193 = tpu.memref_slice %arg2[%scan3A_23, %multiple_of3A_135, %dma_wait3A_192] : memref<5x8192x128xi32, #tpu.memory_space<hbm>> -> memref<1x64x128xi32, #tpu.memory_space<hbm>>
      %dma_wait3A_194 = tpu.memref_squeeze %dma_wait3A_193 : memref<1x64x128xi32, #tpu.memory_space<hbm>> -> memref<64x128xi32, #tpu.memory_space<hbm>>
      tpu.wait_dma2 semaphore(%arg16 : memref<!tpu.dma_semaphore, #tpu.memory_space<semaphore_mem>>) src(%dma_wait3A_194 : memref<64x128xi32, #tpu.memory_space<hbm>>) dst(%dma_wait3A_191 : memref<64x128xi32, #tpu.memory_space<vmem>>)
      %scan3A_195 = arith.constant 0 : i32
      %scan3A_196 = arith.constant 0 : i32
      %scan3A_197 = arith.constant 256 : i32
      %scan3A_198 = arith.addi %scan3A_196, %scan3A_197 : i32
      %scan3A_199 = arith.constant 1 : i32
      scf.for %scan3A_360 = %scan3A_196 to %scan3A_198 step %scan3A_199  : i32 {
        %get3A_361 = arith.index_cast %scan3A_360 : i32 to index
        %get3A_362 = arith.constant 0 : index
        %get3A_363 = tpu.vector_load %arg8[%get3A_361, %get3A_362] {strides = array<i32>} : memref<256x128xi32, #tpu.memory_space<vmem>>, vector<16xi32>,
        %shift_left3A = arith.constant 5 : i32
        %shift_left3A_364 = vector.broadcast %shift_left3A : i32 to vector<16xi32>
        %shift_left3A_365 = arith.shli %iota3A, %shift_left3A_364 : vector<16xi32>
        %shift_right_arithmetic3A_366 = arith.constant 16 : i32
        %shift_right_arithmetic3A_367 = vector.broadcast %shift_right_arithmetic3A_366 : i32 to vector<16xi32>
        %shift_right_arithmetic3A_368 = arith.shrsi %get3A_363, %shift_right_arithmetic3A_367 : vector<16xi32>
        %or3A = arith.ori %shift_left3A_365, %shift_right_arithmetic3A_368 : vector<16xi32>
        tpu.vector_store_idx %arg10[%or3A], %broadcast_in_dim3A_17 {add = true} : memref<512xi32, #tpu.memory_space<vmem>>[vector<16xi32>], vector<16xi32>,
        %get3A_369 = arith.index_cast %scan3A_360 : i32 to index
        %get3A_370 = arith.constant 16 : index
        %get3A_371 = tpu.vector_load %arg8[%get3A_369, %get3A_370] {strides = array<i32>} : memref<256x128xi32, #tpu.memory_space<vmem>>, vector<16xi32>,
        %shift_left3A_372 = arith.constant 5 : i32
        %shift_left3A_373 = vector.broadcast %shift_left3A_372 : i32 to vector<16xi32>
        %shift_left3A_374 = arith.shli %iota3A, %shift_left3A_373 : vector<16xi32>
        %shift_right_arithmetic3A_375 = arith.constant 16 : i32
        %shift_right_arithmetic3A_376 = vector.broadcast %shift_right_arithmetic3A_375 : i32 to vector<16xi32>
        %shift_right_arithmetic3A_377 = arith.shrsi %get3A_371, %shift_right_arithmetic3A_376 : vector<16xi32>
        %or3A_378 = arith.ori %shift_left3A_374, %shift_right_arithmetic3A_377 : vector<16xi32>
        tpu.vector_store_idx %arg10[%or3A_378], %broadcast_in_dim3A_17 {add = true} : memref<512xi32, #tpu.memory_space<vmem>>[vector<16xi32>], vector<16xi32>,
        %get3A_379 = arith.index_cast %scan3A_360 : i32 to index
        %get3A_380 = arith.constant 32 : index
        %get3A_381 = tpu.vector_load %arg8[%get3A_379, %get3A_380] {strides = array<i32>} : memref<256x128xi32, #tpu.memory_space<vmem>>, vector<16xi32>,
        %shift_left3A_382 = arith.constant 5 : i32
        %shift_left3A_383 = vector.broadcast %shift_left3A_382 : i32 to vector<16xi32>
        %shift_left3A_384 = arith.shli %iota3A, %shift_left3A_383 : vector<16xi32>
        %shift_right_arithmetic3A_385 = arith.constant 16 : i32
        %shift_right_arithmetic3A_386 = vector.broadcast %shift_right_arithmetic3A_385 : i32 to vector<16xi32>
        %shift_right_arithmetic3A_387 = arith.shrsi %get3A_381, %shift_right_arithmetic3A_386 : vector<16xi32>
        %or3A_388 = arith.ori %shift_left3A_384, %shift_right_arithmetic3A_387 : vector<16xi32>
        tpu.vector_store_idx %arg10[%or3A_388], %broadcast_in_dim3A_17 {add = true} : memref<512xi32, #tpu.memory_space<vmem>>[vector<16xi32>], vector<16xi32>,
        %get3A_389 = arith.index_cast %scan3A_360 : i32 to index
        %get3A_390 = arith.constant 48 : index
        %get3A_391 = tpu.vector_load %arg8[%get3A_389, %get3A_390] {strides = array<i32>} : memref<256x128xi32, #tpu.memory_space<vmem>>, vector<16xi32>,
        %shift_left3A_392 = arith.constant 5 : i32
        %shift_left3A_393 = vector.broadcast %shift_left3A_392 : i32 to vector<16xi32>
        %shift_left3A_394 = arith.shli %iota3A, %shift_left3A_393 : vector<16xi32>
        %shift_right_arithmetic3A_395 = arith.constant 16 : i32
        %shift_right_arithmetic3A_396 = vector.broadcast %shift_right_arithmetic3A_395 : i32 to vector<16xi32>
        %shift_right_arithmetic3A_397 = arith.shrsi %get3A_391, %shift_right_arithmetic3A_396 : vector<16xi32>
        %or3A_398 = arith.ori %shift_left3A_394, %shift_right_arithmetic3A_397 : vector<16xi32>
        tpu.vector_store_idx %arg10[%or3A_398], %broadcast_in_dim3A_17 {add = true} : memref<512xi32, #tpu.memory_space<vmem>>[vector<16xi32>], vector<16xi32>,
        %get3A_399 = arith.index_cast %scan3A_360 : i32 to index
        %get3A_400 = arith.constant 64 : index
        %get3A_401 = tpu.vector_load %arg8[%get3A_399, %get3A_400] {strides = array<i32>} : memref<256x128xi32, #tpu.memory_space<vmem>>, vector<16xi32>,
        %shift_left3A_402 = arith.constant 5 : i32
        %shift_left3A_403 = vector.broadcast %shift_left3A_402 : i32 to vector<16xi32>
        %shift_left3A_404 = arith.shli %iota3A, %shift_left3A_403 : vector<16xi32>
        %shift_right_arithmetic3A_405 = arith.constant 16 : i32
        %shift_right_arithmetic3A_406 = vector.broadcast %shift_right_arithmetic3A_405 : i32 to vector<16xi32>
        %shift_right_arithmetic3A_407 = arith.shrsi %get3A_401, %shift_right_arithmetic3A_406 : vector<16xi32>
        %or3A_408 = arith.ori %shift_left3A_404, %shift_right_arithmetic3A_407 : vector<16xi32>
        tpu.vector_store_idx %arg10[%or3A_408], %broadcast_in_dim3A_17 {add = true} : memref<512xi32, #tpu.memory_space<vmem>>[vector<16xi32>], vector<16xi32>,
        %get3A_409 = arith.index_cast %scan3A_360 : i32 to index
        %get3A_410 = arith.constant 80 : index
        %get3A_411 = tpu.vector_load %arg8[%get3A_409, %get3A_410] {strides = array<i32>} : memref<256x128xi32, #tpu.memory_space<vmem>>, vector<16xi32>,
        %shift_left3A_412 = arith.constant 5 : i32
        %shift_left3A_413 = vector.broadcast %shift_left3A_412 : i32 to vector<16xi32>
        %shift_left3A_414 = arith.shli %iota3A, %shift_left3A_413 : vector<16xi32>
        %shift_right_arithmetic3A_415 = arith.constant 16 : i32
        %shift_right_arithmetic3A_416 = vector.broadcast %shift_right_arithmetic3A_415 : i32 to vector<16xi32>
        %shift_right_arithmetic3A_417 = arith.shrsi %get3A_411, %shift_right_arithmetic3A_416 : vector<16xi32>
        %or3A_418 = arith.ori %shift_left3A_414, %shift_right_arithmetic3A_417 : vector<16xi32>
        tpu.vector_store_idx %arg10[%or3A_418], %broadcast_in_dim3A_17 {add = true} : memref<512xi32, #tpu.memory_space<vmem>>[vector<16xi32>], vector<16xi32>,
        %get3A_419 = arith.index_cast %scan3A_360 : i32 to index
        %get3A_420 = arith.constant 96 : index
        %get3A_421 = tpu.vector_load %arg8[%get3A_419, %get3A_420] {strides = array<i32>} : memref<256x128xi32, #tpu.memory_space<vmem>>, vector<16xi32>,
        %shift_left3A_422 = arith.constant 5 : i32
        %shift_left3A_423 = vector.broadcast %shift_left3A_422 : i32 to vector<16xi32>
        %shift_left3A_424 = arith.shli %iota3A, %shift_left3A_423 : vector<16xi32>
        %shift_right_arithmetic3A_425 = arith.constant 16 : i32
        %shift_right_arithmetic3A_426 = vector.broadcast %shift_right_arithmetic3A_425 : i32 to vector<16xi32>
        %shift_right_arithmetic3A_427 = arith.shrsi %get3A_421, %shift_right_arithmetic3A_426 : vector<16xi32>
        %or3A_428 = arith.ori %shift_left3A_424, %shift_right_arithmetic3A_427 : vector<16xi32>
        tpu.vector_store_idx %arg10[%or3A_428], %broadcast_in_dim3A_17 {add = true} : memref<512xi32, #tpu.memory_space<vmem>>[vector<16xi32>], vector<16xi32>,
        %get3A_429 = arith.index_cast %scan3A_360 : i32 to index
        %get3A_430 = arith.constant 112 : index
        %get3A_431 = tpu.vector_load %arg8[%get3A_429, %get3A_430] {strides = array<i32>} : memref<256x128xi32, #tpu.memory_space<vmem>>, vector<16xi32>,
        %shift_left3A_432 = arith.constant 5 : i32
        %shift_left3A_433 = vector.broadcast %shift_left3A_432 : i32 to vector<16xi32>
        %shift_left3A_434 = arith.shli %iota3A, %shift_left3A_433 : vector<16xi32>
        %shift_right_arithmetic3A_435 = arith.constant 16 : i32
        %shift_right_arithmetic3A_436 = vector.broadcast %shift_right_arithmetic3A_435 : i32 to vector<16xi32>
        %shift_right_arithmetic3A_437 = arith.shrsi %get3A_431, %shift_right_arithmetic3A_436 : vector<16xi32>
        %or3A_438 = arith.ori %shift_left3A_434, %shift_right_arithmetic3A_437 : vector<16xi32>
        tpu.vector_store_idx %arg10[%or3A_438], %broadcast_in_dim3A_17 {add = true} : memref<512xi32, #tpu.memory_space<vmem>>[vector<16xi32>], vector<16xi32>,
      }
      %scan3A_200 = arith.constant 256 : i32
      %get3A = arith.constant 0 : index
      %get3A_201 = tpu.vector_load %arg10[%get3A] {strides = array<i32>} : memref<512xi32, #tpu.memory_space<vmem>>, vector<16xi32>,
      %add3A_202 = arith.addi %broadcast_in_dim3A_15, %get3A_201 : vector<16xi32>
      %get3A_203 = arith.constant 32 : index
      %get3A_204 = tpu.vector_load %arg10[%get3A_203] {strides = array<i32>} : memref<512xi32, #tpu.memory_space<vmem>>, vector<16xi32>,
      %add3A_205 = arith.addi %add3A_202, %get3A_204 : vector<16xi32>
      %get3A_206 = arith.constant 64 : index
      %get3A_207 = tpu.vector_load %arg10[%get3A_206] {strides = array<i32>} : memref<512xi32, #tpu.memory_space<vmem>>, vector<16xi32>,
      %add3A_208 = arith.addi %add3A_205, %get3A_207 : vector<16xi32>
      %get3A_209 = arith.constant 96 : index
      %get3A_210 = tpu.vector_load %arg10[%get3A_209] {strides = array<i32>} : memref<512xi32, #tpu.memory_space<vmem>>, vector<16xi32>,
      %add3A_211 = arith.addi %add3A_208, %get3A_210 : vector<16xi32>
      %get3A_212 = arith.constant 128 : index
      %get3A_213 = tpu.vector_load %arg10[%get3A_212] {strides = array<i32>} : memref<512xi32, #tpu.memory_space<vmem>>, vector<16xi32>,
      %add3A_214 = arith.addi %add3A_211, %get3A_213 : vector<16xi32>
      %get3A_215 = arith.constant 160 : index
      %get3A_216 = tpu.vector_load %arg10[%get3A_215] {strides = array<i32>} : memref<512xi32, #tpu.memory_space<vmem>>, vector<16xi32>,
      %add3A_217 = arith.addi %add3A_214, %get3A_216 : vector<16xi32>
      %get3A_218 = arith.constant 192 : index
      %get3A_219 = tpu.vector_load %arg10[%get3A_218] {strides = array<i32>} : memref<512xi32, #tpu.memory_space<vmem>>, vector<16xi32>,
      %add3A_220 = arith.addi %add3A_217, %get3A_219 : vector<16xi32>
      %get3A_221 = arith.constant 224 : index
      %get3A_222 = tpu.vector_load %arg10[%get3A_221] {strides = array<i32>} : memref<512xi32, #tpu.memory_space<vmem>>, vector<16xi32>,
      %add3A_223 = arith.addi %add3A_220, %get3A_222 : vector<16xi32>
      %get3A_224 = arith.constant 256 : index
      %get3A_225 = tpu.vector_load %arg10[%get3A_224] {strides = array<i32>} : memref<512xi32, #tpu.memory_space<vmem>>, vector<16xi32>,
      %add3A_226 = arith.addi %add3A_223, %get3A_225 : vector<16xi32>
      %get3A_227 = arith.constant 288 : index
      %get3A_228 = tpu.vector_load %arg10[%get3A_227] {strides = array<i32>} : memref<512xi32, #tpu.memory_space<vmem>>, vector<16xi32>,
      %add3A_229 = arith.addi %add3A_226, %get3A_228 : vector<16xi32>
      %get3A_230 = arith.constant 320 : index
      %get3A_231 = tpu.vector_load %arg10[%get3A_230] {strides = array<i32>} : memref<512xi32, #tpu.memory_space<vmem>>, vector<16xi32>,
      %add3A_232 = arith.addi %add3A_229, %get3A_231 : vector<16xi32>
      %get3A_233 = arith.constant 352 : index
      %get3A_234 = tpu.vector_load %arg10[%get3A_233] {strides = array<i32>} : memref<512xi32, #tpu.memory_space<vmem>>, vector<16xi32>,
      %add3A_235 = arith.addi %add3A_232, %get3A_234 : vector<16xi32>
      %get3A_236 = arith.constant 384 : index
      %get3A_237 = tpu.vector_load %arg10[%get3A_236] {strides = array<i32>} : memref<512xi32, #tpu.memory_space<vmem>>, vector<16xi32>,
      %add3A_238 = arith.addi %add3A_235, %get3A_237 : vector<16xi32>
      %get3A_239 = arith.constant 416 : index
      %get3A_240 = tpu.vector_load %arg10[%get3A_239] {strides = array<i32>} : memref<512xi32, #tpu.memory_space<vmem>>, vector<16xi32>,
      %add3A_241 = arith.addi %add3A_238, %get3A_240 : vector<16xi32>
      %get3A_242 = arith.constant 448 : index
      %get3A_243 = tpu.vector_load %arg10[%get3A_242] {strides = array<i32>} : memref<512xi32, #tpu.memory_space<vmem>>, vector<16xi32>,
      %add3A_244 = arith.addi %add3A_241, %get3A_243 : vector<16xi32>
      %get3A_245 = arith.constant 480 : index
      %get3A_246 = tpu.vector_load %arg10[%get3A_245] {strides = array<i32>} : memref<512xi32, #tpu.memory_space<vmem>>, vector<16xi32>,
      %add3A_247 = arith.addi %add3A_244, %get3A_246 : vector<16xi32>
      %get3A_248 = arith.constant 16 : index
      %get3A_249 = tpu.vector_load %arg10[%get3A_248] {strides = array<i32>} : memref<512xi32, #tpu.memory_space<vmem>>, vector<16xi32>,
      %add3A_250 = arith.addi %broadcast_in_dim3A_15, %get3A_249 : vector<16xi32>
      %get3A_251 = arith.constant 48 : index
      %get3A_252 = tpu.vector_load %arg10[%get3A_251] {strides = array<i32>} : memref<512xi32, #tpu.memory_space<vmem>>, vector<16xi32>,
      %add3A_253 = arith.addi %add3A_250, %get3A_252 : vector<16xi32>
      %get3A_254 = arith.constant 80 : index
      %get3A_255 = tpu.vector_load %arg10[%get3A_254] {strides = array<i32>} : memref<512xi32, #tpu.memory_space<vmem>>, vector<16xi32>,
      %add3A_256 = arith.addi %add3A_253, %get3A_255 : vector<16xi32>
      %get3A_257 = arith.constant 112 : index
      %get3A_258 = tpu.vector_load %arg10[%get3A_257] {strides = array<i32>} : memref<512xi32, #tpu.memory_space<vmem>>, vector<16xi32>,
      %add3A_259 = arith.addi %add3A_256, %get3A_258 : vector<16xi32>
      %get3A_260 = arith.constant 144 : index
      %get3A_261 = tpu.vector_load %arg10[%get3A_260] {strides = array<i32>} : memref<512xi32, #tpu.memory_space<vmem>>, vector<16xi32>,
      %add3A_262 = arith.addi %add3A_259, %get3A_261 : vector<16xi32>
      %get3A_263 = arith.constant 176 : index
      %get3A_264 = tpu.vector_load %arg10[%get3A_263] {strides = array<i32>} : memref<512xi32, #tpu.memory_space<vmem>>, vector<16xi32>,
      %add3A_265 = arith.addi %add3A_262, %get3A_264 : vector<16xi32>
      %get3A_266 = arith.constant 208 : index
      %get3A_267 = tpu.vector_load %arg10[%get3A_266] {strides = array<i32>} : memref<512xi32, #tpu.memory_space<vmem>>, vector<16xi32>,
      %add3A_268 = arith.addi %add3A_265, %get3A_267 : vector<16xi32>
      %get3A_269 = arith.constant 240 : index
      %get3A_270 = tpu.vector_load %arg10[%get3A_269] {strides = array<i32>} : memref<512xi32, #tpu.memory_space<vmem>>, vector<16xi32>,
      %add3A_271 = arith.addi %add3A_268, %get3A_270 : vector<16xi32>
      %get3A_272 = arith.constant 272 : index
      %get3A_273 = tpu.vector_load %arg10[%get3A_272] {strides = array<i32>} : memref<512xi32, #tpu.memory_space<vmem>>, vector<16xi32>,
      %add3A_274 = arith.addi %add3A_271, %get3A_273 : vector<16xi32>
      %get3A_275 = arith.constant 304 : index
      %get3A_276 = tpu.vector_load %arg10[%get3A_275] {strides = array<i32>} : memref<512xi32, #tpu.memory_space<vmem>>, vector<16xi32>,
      %add3A_277 = arith.addi %add3A_274, %get3A_276 : vector<16xi32>
      %get3A_278 = arith.constant 336 : index
      %get3A_279 = tpu.vector_load %arg10[%get3A_278] {strides = array<i32>} : memref<512xi32, #tpu.memory_space<vmem>>, vector<16xi32>,
      %add3A_280 = arith.addi %add3A_277, %get3A_279 : vector<16xi32>
      %get3A_281 = arith.constant 368 : index
      %get3A_282 = tpu.vector_load %arg10[%get3A_281] {strides = array<i32>} : memref<512xi32, #tpu.memory_space<vmem>>, vector<16xi32>,
      %add3A_283 = arith.addi %add3A_280, %get3A_282 : vector<16xi32>
      %get3A_284 = arith.constant 400 : index
      %get3A_285 = tpu.vector_load %arg10[%get3A_284] {strides = array<i32>} : memref<512xi32, #tpu.memory_space<vmem>>, vector<16xi32>,
      %add3A_286 = arith.addi %add3A_283, %get3A_285 : vector<16xi32>
      %get3A_287 = arith.constant 432 : index
      %get3A_288 = tpu.vector_load %arg10[%get3A_287] {strides = array<i32>} : memref<512xi32, #tpu.memory_space<vmem>>, vector<16xi32>,
      %add3A_289 = arith.addi %add3A_286, %get3A_288 : vector<16xi32>
      %get3A_290 = arith.constant 464 : index
      %get3A_291 = tpu.vector_load %arg10[%get3A_290] {strides = array<i32>} : memref<512xi32, #tpu.memory_space<vmem>>, vector<16xi32>,
      %add3A_292 = arith.addi %add3A_289, %get3A_291 : vector<16xi32>
      %get3A_293 = arith.constant 496 : index
      %get3A_294 = tpu.vector_load %arg10[%get3A_293] {strides = array<i32>} : memref<512xi32, #tpu.memory_space<vmem>>, vector<16xi32>,
      %add3A_295 = arith.addi %add3A_292, %get3A_294 : vector<16xi32>
      %add3A_296 = arith.constant 15 : i32
      %add3A_297 = vector.broadcast %add3A_296 : i32 to vector<16xi32>
      %add3A_298 = arith.addi %add3A_247, %add3A_297 : vector<16xi32>
      %and3A = arith.constant -16 : i32
      %and3A_299 = vector.broadcast %and3A : i32 to vector<16xi32>
      %and3A_300 = arith.andi %add3A_298, %and3A_299 : vector<16xi32>
      %add3A_301 = arith.constant 15 : i32
      %add3A_302 = vector.broadcast %add3A_301 : i32 to vector<16xi32>
      %add3A_303 = arith.addi %add3A_295, %add3A_302 : vector<16xi32>
      %and3A_304 = arith.constant -16 : i32
      %and3A_305 = vector.broadcast %and3A_304 : i32 to vector<16xi32>
      %and3A_306 = arith.andi %add3A_303, %and3A_305 : vector<16xi32>
      %broadcast_in_dim3A_307 = arith.constant true
      %broadcast_in_dim3A_308 = vector.broadcast %broadcast_in_dim3A_307 : i1 to vector<16xi1>
      %masked_cumsum3A = tpu.scan <sum>, %and3A_300 masked %broadcast_in_dim3A_308 : vector<16xi32>, vector<16xi1> -> vector<16xi32>
      %sub3A_309 = arith.subi %masked_cumsum3A, %and3A_300 : vector<16xi32>
      %broadcast_in_dim3A_310 = arith.constant true
      %broadcast_in_dim3A_311 = vector.broadcast %broadcast_in_dim3A_310 : i1 to vector<16xi1>
      %masked_cumsum3A_312 = tpu.scan <sum>, %and3A_306 masked %broadcast_in_dim3A_311 : vector<16xi32>, vector<16xi1> -> vector<16xi32>
      %sub3A_313 = arith.subi %masked_cumsum3A_312, %and3A_306 : vector<16xi32>
      %reduce_max3A = arith.constant true
      %reduce_max3A_314 = vector.broadcast %reduce_max3A : i1 to vector<16xi1>
      %reduce_max3A_315 = arith.constant -2147483648 : i32
      %reduce_max3A_316 = vector.broadcast %reduce_max3A_315 : i32 to vector<16xi32>
      %reduce_max3A_317 = arith.xori %masked_cumsum3A, %reduce_max3A_316 : vector<16xi32>
      %reduce_max3A_318 = tpu.scan <max>, %reduce_max3A_317 masked %reduce_max3A_314 : vector<16xi32>, vector<16xi1> -> vector<16xi32>
      %reduce_max3A_319 = arith.xori %reduce_max3A_318, %reduce_max3A_316 : vector<16xi32>
      %reduce_max3A_320 = vector.extract %reduce_max3A_319[15] : i32 from vector<16xi32>
      %add3A_321 = vector.broadcast %reduce_max3A_320 : i32 to vector<16xi32>
      %add3A_322 = arith.addi %sub3A_313, %add3A_321 : vector<16xi32>
      %swap3A_323 = arith.constant 0 : index
      %swap3A_324 = tpu.vector_load %arg11[%swap3A_323] {strides = array<i32>} : memref<32xi32, #tpu.memory_space<vmem>>, vector<16xi32>,
      tpu.vector_store %arg11[%swap3A_323], %add3A_247 {strides = array<i32>} : memref<32xi32, #tpu.memory_space<vmem>>, vector<16xi32>,
      %swap3A_325 = arith.constant 16 : index
      %swap3A_326 = tpu.vector_load %arg11[%swap3A_325] {strides = array<i32>} : memref<32xi32, #tpu.memory_space<vmem>>, vector<16xi32>,
      tpu.vector_store %arg11[%swap3A_325], %add3A_295 {strides = array<i32>} : memref<32xi32, #tpu.memory_space<vmem>>, vector<16xi32>,
      %swap3A_327 = arith.constant 0 : index
      %swap3A_328 = tpu.vector_load %arg12[%swap3A_327] {strides = array<i32>} : memref<32xi32, #tpu.memory_space<vmem>>, vector<16xi32>,
      tpu.vector_store %arg12[%swap3A_327], %sub3A_309 {strides = array<i32>} : memref<32xi32, #tpu.memory_space<vmem>>, vector<16xi32>,
      %swap3A_329 = arith.constant 16 : index
      %swap3A_330 = tpu.vector_load %arg12[%swap3A_329] {strides = array<i32>} : memref<32xi32, #tpu.memory_space<vmem>>, vector<16xi32>,
      tpu.vector_store %arg12[%swap3A_329], %add3A_322 {strides = array<i32>} : memref<32xi32, #tpu.memory_space<vmem>>, vector<16xi32>,
      %swap3A_331 = arith.constant 0 : index
      %swap3A_332 = tpu.vector_load %arg13[%swap3A_331] {strides = array<i32>} : memref<32xi32, #tpu.memory_space<vmem>>, vector<16xi32>,
      tpu.vector_store %arg13[%swap3A_331], %sub3A_309 {strides = array<i32>} : memref<32xi32, #tpu.memory_space<vmem>>, vector<16xi32>,
      %swap3A_333 = arith.constant 16 : index
      %swap3A_334 = tpu.vector_load %arg13[%swap3A_333] {strides = array<i32>} : memref<32xi32, #tpu.memory_space<vmem>>, vector<16xi32>,
      tpu.vector_store %arg13[%swap3A_333], %add3A_322 {strides = array<i32>} : memref<32xi32, #tpu.memory_space<vmem>>, vector<16xi32>,
      %mul3A_335 = arith.constant 1024 : i32
      %mul3A_336 = arith.muli %scan3A_23, %mul3A_335 : i32
      %mul3A_337 = arith.constant 32 : i32
      %mul3A_338 = arith.muli %add3A, %mul3A_337 : i32
      %add3A_339 = arith.addi %mul3A_336, %mul3A_338 : i32
      "tpu.region"() ({
        %run_scoped3A = tpu.sem_alloc : memref<!tpu.dma_semaphore, #tpu.memory_space<semaphore_mem>>
        %dma_start3A_360 = tpu.memref_slice %arg7[%add3A_339] : memref<5120xi32, #tpu.memory_space<hbm>> -> memref<32xi32, #tpu.memory_space<hbm>>
        %dma_start3A_361 = tpu.memref_slice %arg7[%add3A_339] : memref<5120xi32, #tpu.memory_space<hbm>> -> memref<32xi32, #tpu.memory_space<hbm>>
        tpu.enqueue_dma source(%arg11 : memref<32xi32, #tpu.memory_space<vmem>>) target(%dma_start3A_361 : memref<32xi32, #tpu.memory_space<hbm>>) target_semaphore(%run_scoped3A : memref<!tpu.dma_semaphore, #tpu.memory_space<semaphore_mem>>)
        %dma_wait3A_362 = tpu.memref_slice %arg7[%add3A_339] : memref<5120xi32, #tpu.memory_space<hbm>> -> memref<32xi32, #tpu.memory_space<hbm>>
        %dma_wait3A_363 = tpu.memref_slice %arg7[%add3A_339] : memref<5120xi32, #tpu.memory_space<hbm>> -> memref<32xi32, #tpu.memory_space<hbm>>
        tpu.wait_dma2 semaphore(%run_scoped3A : memref<!tpu.dma_semaphore, #tpu.memory_space<semaphore_mem>>) src(%arg11 : memref<32xi32, #tpu.memory_space<vmem>>) dst(%dma_wait3A_363 : memref<32xi32, #tpu.memory_space<hbm>>)
        tpu.yield
      }) : () -> ()
      "tpu.region"() ({
        %run_scoped3A = tpu.sem_alloc : memref<!tpu.dma_semaphore, #tpu.memory_space<semaphore_mem>>
        %dma_start3A_360 = tpu.memref_slice %arg6[%add3A_339] : memref<5120xi32, #tpu.memory_space<hbm>> -> memref<32xi32, #tpu.memory_space<hbm>>
        %dma_start3A_361 = tpu.memref_slice %arg6[%add3A_339] : memref<5120xi32, #tpu.memory_space<hbm>> -> memref<32xi32, #tpu.memory_space<hbm>>
        tpu.enqueue_dma source(%arg12 : memref<32xi32, #tpu.memory_space<vmem>>) target(%dma_start3A_361 : memref<32xi32, #tpu.memory_space<hbm>>) target_semaphore(%run_scoped3A : memref<!tpu.dma_semaphore, #tpu.memory_space<semaphore_mem>>)
        %dma_wait3A_362 = tpu.memref_slice %arg6[%add3A_339] : memref<5120xi32, #tpu.memory_space<hbm>> -> memref<32xi32, #tpu.memory_space<hbm>>
        %dma_wait3A_363 = tpu.memref_slice %arg6[%add3A_339] : memref<5120xi32, #tpu.memory_space<hbm>> -> memref<32xi32, #tpu.memory_space<hbm>>
        tpu.wait_dma2 semaphore(%run_scoped3A : memref<!tpu.dma_semaphore, #tpu.memory_space<semaphore_mem>>) src(%arg12 : memref<32xi32, #tpu.memory_space<vmem>>) dst(%dma_wait3A_363 : memref<32xi32, #tpu.memory_space<hbm>>)
        tpu.yield
      }) : () -> ()
      %scan3A_340 = arith.constant 0 : i32
      %scan3A_341 = arith.constant 0 : i32
      %scan3A_342 = arith.constant 4 : i32
      %scan3A_343 = arith.addi %scan3A_341, %scan3A_342 : i32
      %scan3A_344 = arith.constant 1 : i32
      scf.for %scan3A_360 = %scan3A_341 to %scan3A_343 step %scan3A_344  : i32 {
        %mul3A_361 = arith.constant 64 : i32
        %mul3A_362 = arith.muli %scan3A_360, %mul3A_361 : i32
        %add3A_363 = arith.addi %shift_right_arithmetic3A_89, %mul3A_362 : i32
        %multiple_of3A_364 = tpu.assume_multiple %add3A_363, 8 : i32
        "tpu.region"() ({
          %run_scoped3A = tpu.sem_alloc : memref<!tpu.dma_semaphore, #tpu.memory_space<semaphore_mem>>
          %dma_start3A_370 = arith.constant 0 : i32
          %dma_start3A_371 = tpu.memref_slice %arg3[%scan3A_23, %multiple_of3A_364, %dma_start3A_370] : memref<5x8192x128xf32, #tpu.memory_space<hbm>> -> memref<1x64x128xf32, #tpu.memory_space<hbm>>
          %dma_start3A_372 = tpu.memref_squeeze %dma_start3A_371 : memref<1x64x128xf32, #tpu.memory_space<hbm>> -> memref<64x128xf32, #tpu.memory_space<hbm>>
          %dma_start3A_373 = arith.constant 0 : i32
          %dma_start3A_374 = tpu.memref_slice %arg3[%scan3A_23, %multiple_of3A_364, %dma_start3A_373] : memref<5x8192x128xf32, #tpu.memory_space<hbm>> -> memref<1x64x128xf32, #tpu.memory_space<hbm>>
          %dma_start3A_375 = tpu.memref_squeeze %dma_start3A_374 : memref<1x64x128xf32, #tpu.memory_space<hbm>> -> memref<64x128xf32, #tpu.memory_space<hbm>>
          tpu.enqueue_dma source(%dma_start3A_375 : memref<64x128xf32, #tpu.memory_space<hbm>>) target(%arg9 : memref<64x128xf32, #tpu.memory_space<vmem>>) target_semaphore(%run_scoped3A : memref<!tpu.dma_semaphore, #tpu.memory_space<semaphore_mem>>)
          %dma_wait3A_376 = arith.constant 0 : i32
          %dma_wait3A_377 = tpu.memref_slice %arg3[%scan3A_23, %multiple_of3A_364, %dma_wait3A_376] : memref<5x8192x128xf32, #tpu.memory_space<hbm>> -> memref<1x64x128xf32, #tpu.memory_space<hbm>>
          %dma_wait3A_378 = tpu.memref_squeeze %dma_wait3A_377 : memref<1x64x128xf32, #tpu.memory_space<hbm>> -> memref<64x128xf32, #tpu.memory_space<hbm>>
          %dma_wait3A_379 = arith.constant 0 : i32
          %dma_wait3A_380 = tpu.memref_slice %arg3[%scan3A_23, %multiple_of3A_364, %dma_wait3A_379] : memref<5x8192x128xf32, #tpu.memory_space<hbm>> -> memref<1x64x128xf32, #tpu.memory_space<hbm>>
          %dma_wait3A_381 = tpu.memref_squeeze %dma_wait3A_380 : memref<1x64x128xf32, #tpu.memory_space<hbm>> -> memref<64x128xf32, #tpu.memory_space<hbm>>
          tpu.wait_dma2 semaphore(%run_scoped3A : memref<!tpu.dma_semaphore, #tpu.memory_space<semaphore_mem>>) src(%dma_wait3A_381 : memref<64x128xf32, #tpu.memory_space<hbm>>) dst(%arg9 : memref<64x128xf32, #tpu.memory_space<vmem>>)
          tpu.yield
        }) : () -> ()
        %scan3A_365 = arith.constant 0 : i32
        %scan3A_366 = arith.constant 256 : i32
        %scan3A_367 = arith.addi %scan3A_365, %scan3A_366 : i32
        %scan3A_368 = arith.constant 1 : i32
        scf.for %scan3A_370 = %scan3A_365 to %scan3A_367 step %scan3A_368  : i32 {
          %mul3A_371 = arith.constant 2 : i32
          %mul3A_372 = arith.muli %scan3A_370, %mul3A_371 : i32
          %add3A_373 = arith.constant 0 : i32
          %add3A_374 = arith.addi %mul3A_372, %add3A_373 : i32
          %mul3A_375 = arith.constant 512 : i32
          %mul3A_376 = arith.muli %scan3A_360, %mul3A_375 : i32
          %add3A_377 = arith.addi %mul3A_376, %add3A_374 : i32
          %shift_right_arithmetic3A_378 = arith.constant 3 : i32
          %shift_right_arithmetic3A_379 = arith.shrsi %add3A_377, %shift_right_arithmetic3A_378 : i32
          %and3A_380 = arith.constant 7 : i32
          %and3A_381 = arith.andi %add3A_377, %and3A_380 : i32
          %mul3A_382 = arith.constant 16 : i32
          %mul3A_383 = arith.muli %and3A_381, %mul3A_382 : i32
          %get3A_384 = arith.index_cast %shift_right_arithmetic3A_379 : i32 to index
          %get3A_385 = arith.index_cast %mul3A_383 : i32 to index
          %get3A_386 = tpu.vector_load %arg8[%get3A_384, %get3A_385] {strides = array<i32>} : memref<256x128xi32, #tpu.memory_space<vmem>>, vector<16xi32>,
          %shift_right_arithmetic3A_387 = arith.constant 3 : i32
          %shift_right_arithmetic3A_388 = arith.shrsi %add3A_374, %shift_right_arithmetic3A_387 : i32
          %and3A_389 = arith.constant 7 : i32
          %and3A_390 = arith.andi %add3A_374, %and3A_389 : i32
          %mul3A_391 = arith.constant 16 : i32
          %mul3A_392 = arith.muli %and3A_390, %mul3A_391 : i32
          %get3A_393 = arith.index_cast %shift_right_arithmetic3A_388 : i32 to index
          %get3A_394 = arith.index_cast %mul3A_392 : i32 to index
          %get3A_395 = tpu.vector_load %arg9[%get3A_393, %get3A_394] {strides = array<i32>} : memref<64x128xf32, #tpu.memory_space<vmem>>, vector<16xf32>,
          %shift_right_arithmetic3A_396 = arith.constant 16 : i32
          %shift_right_arithmetic3A_397 = vector.broadcast %shift_right_arithmetic3A_396 : i32 to vector<16xi32>
          %shift_right_arithmetic3A_398 = arith.shrsi %get3A_386, %shift_right_arithmetic3A_397 : vector<16xi32>
          %shift_left3A = arith.constant 4 : i32
          %shift_left3A_399 = vector.broadcast %shift_left3A : i32 to vector<16xi32>
          %shift_left3A_400 = arith.shli %shift_right_arithmetic3A_398, %shift_left3A_399 : vector<16xi32>
          %or3A = arith.ori %shift_left3A_400, %iota3A : vector<16xi32>
          %masked_sort3A = arith.constant dense<true> : vector<16xi1>
          %masked_sort3A_401 = arith.constant -2147483648 : i32
          %masked_sort3A_402 = vector.broadcast %masked_sort3A_401 : i32 to vector<16xi32>
          %masked_sort3A_403 = arith.xori %or3A, %masked_sort3A_402 : vector<16xi32>
          %masked_sort3A_404, %masked_sort3A_405, %masked_sort3A_406 = tpu.sort %masked_sort3A_403, %iota3A masked %masked_sort3A : (vector<16xi32>, vector<16xi32>, vector<16xi1>) -> (vector<16xi1>, vector<16xi32>, vector<16xi32>)
          %masked_sort3A_407 = arith.xori %masked_sort3A_405, %masked_sort3A_402 : vector<16xi32>
          %shift_right_arithmetic3A_408 = arith.constant 4 : i32
          %shift_right_arithmetic3A_409 = vector.broadcast %shift_right_arithmetic3A_408 : i32 to vector<16xi32>
          %shift_right_arithmetic3A_410 = arith.shrsi %masked_sort3A_407, %shift_right_arithmetic3A_409 : vector<16xi32>
          %lt3A = arith.constant 0 : i32
          %lt3A_411 = vector.broadcast %lt3A : i32 to vector<16xi32>
          %lt3A_412 = arith.cmpi slt, %masked_sort3A_406, %lt3A_411 : vector<16xi32>
          %add3A_413 = arith.constant 16 : i32
          %add3A_414 = vector.broadcast %add3A_413 : i32 to vector<16xi32>
          %add3A_415 = arith.addi %masked_sort3A_406, %add3A_414 : vector<16xi32>
          %select_n3A = arith.select %lt3A_412, %add3A_415, %masked_sort3A_406 : vector<16xi1>, vector<16xi32>
          %broadcast_in_dim3A_416 = vector.shape_cast %select_n3A : vector<16xi32> to vector<16x1xi32>
          %gather3A = vector.shape_cast %broadcast_in_dim3A_416 : vector<16x1xi32> to vector<16xi32>
          %gather3A_417 = tpu.dynamic_gather %get3A_386[%gather3A] in [0] : vector<16xi32>, vector<16xi32> -> vector<16xi32>
          %lt3A_418 = arith.constant 0 : i32
          %lt3A_419 = vector.broadcast %lt3A_418 : i32 to vector<16xi32>
          %lt3A_420 = arith.cmpi slt, %masked_sort3A_406, %lt3A_419 : vector<16xi32>
          %add3A_421 = arith.constant 16 : i32
          %add3A_422 = vector.broadcast %add3A_421 : i32 to vector<16xi32>
          %add3A_423 = arith.addi %masked_sort3A_406, %add3A_422 : vector<16xi32>
          %select_n3A_424 = arith.select %lt3A_420, %add3A_423, %masked_sort3A_406 : vector<16xi1>, vector<16xi32>
          %broadcast_in_dim3A_425 = vector.shape_cast %select_n3A_424 : vector<16xi32> to vector<16x1xi32>
          %gather3A_426 = vector.shape_cast %broadcast_in_dim3A_425 : vector<16x1xi32> to vector<16xi32>
          %gather3A_427 = tpu.dynamic_gather %get3A_395[%gather3A_426] in [0] : vector<16xf32>, vector<16xi32> -> vector<16xf32>
          %lt3A_428 = arith.constant 0 : i32
          %lt3A_429 = vector.broadcast %lt3A_428 : i32 to vector<16xi32>
          %lt3A_430 = arith.cmpi slt, %max3A_4, %lt3A_429 : vector<16xi32>
          %add3A_431 = arith.constant 16 : i32
          %add3A_432 = vector.broadcast %add3A_431 : i32 to vector<16xi32>
          %add3A_433 = arith.addi %max3A_4, %add3A_432 : vector<16xi32>
          %select_n3A_434 = arith.select %lt3A_430, %add3A_433, %max3A_4 : vector<16xi1>, vector<16xi32>
          %broadcast_in_dim3A_435 = vector.shape_cast %select_n3A_434 : vector<16xi32> to vector<16x1xi32>
          %gather3A_436 = vector.shape_cast %broadcast_in_dim3A_435 : vector<16x1xi32> to vector<16xi32>
          %gather3A_437 = tpu.dynamic_gather %shift_right_arithmetic3A_410[%gather3A_436] in [0] : vector<16xi32>, vector<16xi32> -> vector<16xi32>
          %ne3A = arith.cmpi ne, %shift_right_arithmetic3A_410, %gather3A_437 : vector<16xi32>
          %or3A_438 = arith.ori %ne3A, %eq3A_11 : vector<16xi1>
          %jit3A = arith.constant 0 : i32
          %broadcast_in_dim3A_439 = vector.broadcast %jit3A : i32 to vector<16xi32>
          %select_n3A_440 = arith.select %or3A_438, %iota3A, %broadcast_in_dim3A_439 : vector<16xi1>, vector<16xi32>
          %broadcast_in_dim3A_441 = arith.constant true
          %broadcast_in_dim3A_442 = vector.broadcast %broadcast_in_dim3A_441 : i1 to vector<16xi1>
          %masked_cummax3A = arith.constant -2147483648 : i32
          %masked_cummax3A_443 = vector.broadcast %masked_cummax3A : i32 to vector<16xi32>
          %masked_cummax3A_444 = arith.xori %select_n3A_440, %masked_cummax3A_443 : vector<16xi32>
          %masked_cummax3A_445 = tpu.scan <max>, %masked_cummax3A_444 masked %broadcast_in_dim3A_442 : vector<16xi32>, vector<16xi1> -> vector<16xi32>
          %masked_cummax3A_446 = arith.xori %masked_cummax3A_445, %masked_cummax3A_443 : vector<16xi32>
          %sub3A_447 = arith.subi %iota3A, %masked_cummax3A_446 : vector<16xi32>
          %gather3A_448 = tpu.vector_load_idx %arg13[%shift_right_arithmetic3A_410] : memref<32xi32, #tpu.memory_space<vmem>>[vector<16xi32>], vector<16xi32>,
          %lt3A_449 = arith.constant 0 : i32
          %lt3A_450 = vector.broadcast %lt3A_449 : i32 to vector<16xi32>
          %lt3A_451 = arith.cmpi slt, %min3A_9, %lt3A_450 : vector<16xi32>
          %add3A_452 = arith.constant 16 : i32
          %add3A_453 = vector.broadcast %add3A_452 : i32 to vector<16xi32>
          %add3A_454 = arith.addi %min3A_9, %add3A_453 : vector<16xi32>
          %select_n3A_455 = arith.select %lt3A_451, %add3A_454, %min3A_9 : vector<16xi1>, vector<16xi32>
          %broadcast_in_dim3A_456 = vector.shape_cast %select_n3A_455 : vector<16xi32> to vector<16x1xi32>
          %gather3A_457 = vector.shape_cast %broadcast_in_dim3A_456 : vector<16x1xi32> to vector<16xi32>
          %gather3A_458 = tpu.dynamic_gather %shift_right_arithmetic3A_410[%gather3A_457] in [0] : vector<16xi32>, vector<16xi32> -> vector<16xi32>
          %ne3A_459 = arith.cmpi ne, %shift_right_arithmetic3A_410, %gather3A_458 : vector<16xi32>
          %or3A_460 = arith.ori %ne3A_459, %eq3A_14 : vector<16xi1>
          %add3A_461 = arith.constant 1 : i32
          %add3A_462 = vector.broadcast %add3A_461 : i32 to vector<16xi32>
          %add3A_463 = arith.addi %sub3A_447, %add3A_462 : vector<16xi32>
          tpu.vector_store_idx %arg13[%shift_right_arithmetic3A_410], %add3A_463 masked %or3A_460 {add = true} : memref<32xi32, #tpu.memory_space<vmem>>[vector<16xi32>], vector<16xi32>, vector<16xi1>
          %add3A_464 = arith.addi %gather3A_448, %sub3A_447 : vector<16xi32>
          tpu.vector_store_idx %arg14[%add3A_464], %gather3A_417 : memref<33280xi32, #tpu.memory_space<vmem>>[vector<16xi32>], vector<16xi32>,
          tpu.vector_store_idx %arg15[%add3A_464], %gather3A_427 : memref<33280xf32, #tpu.memory_space<vmem>>[vector<16xi32>], vector<16xf32>,
          %mul3A_465 = arith.constant 2 : i32
          %mul3A_466 = arith.muli %scan3A_370, %mul3A_465 : i32
          %add3A_467 = arith.constant 1 : i32
          %add3A_468 = arith.addi %mul3A_466, %add3A_467 : i32
          %mul3A_469 = arith.constant 512 : i32
          %mul3A_470 = arith.muli %scan3A_360, %mul3A_469 : i32
          %add3A_471 = arith.addi %mul3A_470, %add3A_468 : i32
          %shift_right_arithmetic3A_472 = arith.constant 3 : i32
          %shift_right_arithmetic3A_473 = arith.shrsi %add3A_471, %shift_right_arithmetic3A_472 : i32
          %and3A_474 = arith.constant 7 : i32
          %and3A_475 = arith.andi %add3A_471, %and3A_474 : i32
          %mul3A_476 = arith.constant 16 : i32
          %mul3A_477 = arith.muli %and3A_475, %mul3A_476 : i32
          %get3A_478 = arith.index_cast %shift_right_arithmetic3A_473 : i32 to index
          %get3A_479 = arith.index_cast %mul3A_477 : i32 to index
          %get3A_480 = tpu.vector_load %arg8[%get3A_478, %get3A_479] {strides = array<i32>} : memref<256x128xi32, #tpu.memory_space<vmem>>, vector<16xi32>,
          %shift_right_arithmetic3A_481 = arith.constant 3 : i32
          %shift_right_arithmetic3A_482 = arith.shrsi %add3A_468, %shift_right_arithmetic3A_481 : i32
          %and3A_483 = arith.constant 7 : i32
          %and3A_484 = arith.andi %add3A_468, %and3A_483 : i32
          %mul3A_485 = arith.constant 16 : i32
          %mul3A_486 = arith.muli %and3A_484, %mul3A_485 : i32
          %get3A_487 = arith.index_cast %shift_right_arithmetic3A_482 : i32 to index
          %get3A_488 = arith.index_cast %mul3A_486 : i32 to index
          %get3A_489 = tpu.vector_load %arg9[%get3A_487, %get3A_488] {strides = array<i32>} : memref<64x128xf32, #tpu.memory_space<vmem>>, vector<16xf32>,
          %shift_right_arithmetic3A_490 = arith.constant 16 : i32
          %shift_right_arithmetic3A_491 = vector.broadcast %shift_right_arithmetic3A_490 : i32 to vector<16xi32>
          %shift_right_arithmetic3A_492 = arith.shrsi %get3A_480, %shift_right_arithmetic3A_491 : vector<16xi32>
          %shift_left3A_493 = arith.constant 4 : i32
          %shift_left3A_494 = vector.broadcast %shift_left3A_493 : i32 to vector<16xi32>
          %shift_left3A_495 = arith.shli %shift_right_arithmetic3A_492, %shift_left3A_494 : vector<16xi32>
          %or3A_496 = arith.ori %shift_left3A_495, %iota3A : vector<16xi32>
          %masked_sort3A_497 = arith.constant dense<true> : vector<16xi1>
          %masked_sort3A_498 = arith.constant -2147483648 : i32
          %masked_sort3A_499 = vector.broadcast %masked_sort3A_498 : i32 to vector<16xi32>
          %masked_sort3A_500 = arith.xori %or3A_496, %masked_sort3A_499 : vector<16xi32>
          %masked_sort3A_501, %masked_sort3A_502, %masked_sort3A_503 = tpu.sort %masked_sort3A_500, %iota3A masked %masked_sort3A_497 : (vector<16xi32>, vector<16xi32>, vector<16xi1>) -> (vector<16xi1>, vector<16xi32>, vector<16xi32>)
          %masked_sort3A_504 = arith.xori %masked_sort3A_502, %masked_sort3A_499 : vector<16xi32>
          %shift_right_arithmetic3A_505 = arith.constant 4 : i32
          %shift_right_arithmetic3A_506 = vector.broadcast %shift_right_arithmetic3A_505 : i32 to vector<16xi32>
          %shift_right_arithmetic3A_507 = arith.shrsi %masked_sort3A_504, %shift_right_arithmetic3A_506 : vector<16xi32>
          %lt3A_508 = arith.constant 0 : i32
          %lt3A_509 = vector.broadcast %lt3A_508 : i32 to vector<16xi32>
          %lt3A_510 = arith.cmpi slt, %masked_sort3A_503, %lt3A_509 : vector<16xi32>
          %add3A_511 = arith.constant 16 : i32
          %add3A_512 = vector.broadcast %add3A_511 : i32 to vector<16xi32>
          %add3A_513 = arith.addi %masked_sort3A_503, %add3A_512 : vector<16xi32>
          %select_n3A_514 = arith.select %lt3A_510, %add3A_513, %masked_sort3A_503 : vector<16xi1>, vector<16xi32>
          %broadcast_in_dim3A_515 = vector.shape_cast %select_n3A_514 : vector<16xi32> to vector<16x1xi32>
          %gather3A_516 = vector.shape_cast %broadcast_in_dim3A_515 : vector<16x1xi32> to vector<16xi32>
          %gather3A_517 = tpu.dynamic_gather %get3A_480[%gather3A_516] in [0] : vector<16xi32>, vector<16xi32> -> vector<16xi32>
          %lt3A_518 = arith.constant 0 : i32
          %lt3A_519 = vector.broadcast %lt3A_518 : i32 to vector<16xi32>
          %lt3A_520 = arith.cmpi slt, %masked_sort3A_503, %lt3A_519 : vector<16xi32>
          %add3A_521 = arith.constant 16 : i32
          %add3A_522 = vector.broadcast %add3A_521 : i32 to vector<16xi32>
          %add3A_523 = arith.addi %masked_sort3A_503, %add3A_522 : vector<16xi32>
          %select_n3A_524 = arith.select %lt3A_520, %add3A_523, %masked_sort3A_503 : vector<16xi1>, vector<16xi32>
          %broadcast_in_dim3A_525 = vector.shape_cast %select_n3A_524 : vector<16xi32> to vector<16x1xi32>
          %gather3A_526 = vector.shape_cast %broadcast_in_dim3A_525 : vector<16x1xi32> to vector<16xi32>
          %gather3A_527 = tpu.dynamic_gather %get3A_489[%gather3A_526] in [0] : vector<16xf32>, vector<16xi32> -> vector<16xf32>
          %lt3A_528 = arith.constant 0 : i32
          %lt3A_529 = vector.broadcast %lt3A_528 : i32 to vector<16xi32>
          %lt3A_530 = arith.cmpi slt, %max3A_4, %lt3A_529 : vector<16xi32>
          %add3A_531 = arith.constant 16 : i32
          %add3A_532 = vector.broadcast %add3A_531 : i32 to vector<16xi32>
          %add3A_533 = arith.addi %max3A_4, %add3A_532 : vector<16xi32>
          %select_n3A_534 = arith.select %lt3A_530, %add3A_533, %max3A_4 : vector<16xi1>, vector<16xi32>
          %broadcast_in_dim3A_535 = vector.shape_cast %select_n3A_534 : vector<16xi32> to vector<16x1xi32>
          %gather3A_536 = vector.shape_cast %broadcast_in_dim3A_535 : vector<16x1xi32> to vector<16xi32>
          %gather3A_537 = tpu.dynamic_gather %shift_right_arithmetic3A_507[%gather3A_536] in [0] : vector<16xi32>, vector<16xi32> -> vector<16xi32>
          %ne3A_538 = arith.cmpi ne, %shift_right_arithmetic3A_507, %gather3A_537 : vector<16xi32>
          %or3A_539 = arith.ori %ne3A_538, %eq3A_11 : vector<16xi1>
          %jit3A_540 = arith.constant 0 : i32
          %broadcast_in_dim3A_541 = vector.broadcast %jit3A_540 : i32 to vector<16xi32>
          %select_n3A_542 = arith.select %or3A_539, %iota3A, %broadcast_in_dim3A_541 : vector<16xi1>, vector<16xi32>
          %broadcast_in_dim3A_543 = arith.constant true
          %broadcast_in_dim3A_544 = vector.broadcast %broadcast_in_dim3A_543 : i1 to vector<16xi1>
          %masked_cummax3A_545 = arith.constant -2147483648 : i32
          %masked_cummax3A_546 = vector.broadcast %masked_cummax3A_545 : i32 to vector<16xi32>
          %masked_cummax3A_547 = arith.xori %select_n3A_542, %masked_cummax3A_546 : vector<16xi32>
          %masked_cummax3A_548 = tpu.scan <max>, %masked_cummax3A_547 masked %broadcast_in_dim3A_544 : vector<16xi32>, vector<16xi1> -> vector<16xi32>
          %masked_cummax3A_549 = arith.xori %masked_cummax3A_548, %masked_cummax3A_546 : vector<16xi32>
          %sub3A_550 = arith.subi %iota3A, %masked_cummax3A_549 : vector<16xi32>
          %gather3A_551 = tpu.vector_load_idx %arg13[%shift_right_arithmetic3A_507] : memref<32xi32, #tpu.memory_space<vmem>>[vector<16xi32>], vector<16xi32>,
          %lt3A_552 = arith.constant 0 : i32
          %lt3A_553 = vector.broadcast %lt3A_552 : i32 to vector<16xi32>
          %lt3A_554 = arith.cmpi slt, %min3A_9, %lt3A_553 : vector<16xi32>
          %add3A_555 = arith.constant 16 : i32
          %add3A_556 = vector.broadcast %add3A_555 : i32 to vector<16xi32>
          %add3A_557 = arith.addi %min3A_9, %add3A_556 : vector<16xi32>
          %select_n3A_558 = arith.select %lt3A_554, %add3A_557, %min3A_9 : vector<16xi1>, vector<16xi32>
          %broadcast_in_dim3A_559 = vector.shape_cast %select_n3A_558 : vector<16xi32> to vector<16x1xi32>
          %gather3A_560 = vector.shape_cast %broadcast_in_dim3A_559 : vector<16x1xi32> to vector<16xi32>
          %gather3A_561 = tpu.dynamic_gather %shift_right_arithmetic3A_507[%gather3A_560] in [0] : vector<16xi32>, vector<16xi32> -> vector<16xi32>
          %ne3A_562 = arith.cmpi ne, %shift_right_arithmetic3A_507, %gather3A_561 : vector<16xi32>
          %or3A_563 = arith.ori %ne3A_562, %eq3A_14 : vector<16xi1>
          %add3A_564 = arith.constant 1 : i32
          %add3A_565 = vector.broadcast %add3A_564 : i32 to vector<16xi32>
          %add3A_566 = arith.addi %sub3A_550, %add3A_565 : vector<16xi32>
          tpu.vector_store_idx %arg13[%shift_right_arithmetic3A_507], %add3A_566 masked %or3A_563 {add = true} : memref<32xi32, #tpu.memory_space<vmem>>[vector<16xi32>], vector<16xi32>, vector<16xi1>
          %add3A_567 = arith.addi %gather3A_551, %sub3A_550 : vector<16xi32>
          tpu.vector_store_idx %arg14[%add3A_567], %gather3A_517 : memref<33280xi32, #tpu.memory_space<vmem>>[vector<16xi32>], vector<16xi32>,
          tpu.vector_store_idx %arg15[%add3A_567], %gather3A_527 : memref<33280xf32, #tpu.memory_space<vmem>>[vector<16xi32>], vector<16xf32>,
        }
        %scan3A_369 = arith.constant 256 : i32
      }
      %scan3A_345 = arith.constant 4 : i32
      %mul3A_346 = arith.constant 32 : i32
      %mul3A_347 = arith.muli %scan3A_23, %mul3A_346 : i32
      %add3A_348 = arith.addi %mul3A_347, %add3A : i32
      %mul3A_349 = arith.constant 34304 : i32
      %mul3A_350 = arith.muli %add3A_348, %mul3A_349 : i32
      %multiple_of3A_351 = tpu.assume_multiple %mul3A_350, 16 : i32
      %dma_start3A_352 = tpu.memref_slice %arg4[%multiple_of3A_351] : memref<5488640xi32, #tpu.memory_space<hbm>> -> memref<33280xi32, #tpu.memory_space<hbm>>
      %dma_start3A_353 = tpu.memref_slice %arg4[%multiple_of3A_351] : memref<5488640xi32, #tpu.memory_space<hbm>> -> memref<33280xi32, #tpu.memory_space<hbm>>
      tpu.enqueue_dma source(%arg14 : memref<33280xi32, #tpu.memory_space<vmem>>) target(%dma_start3A_353 : memref<33280xi32, #tpu.memory_space<hbm>>) target_semaphore(%arg16 : memref<!tpu.dma_semaphore, #tpu.memory_space<semaphore_mem>>)
      %dma_start3A_354 = tpu.memref_slice %arg5[%multiple_of3A_351] : memref<5488640xf32, #tpu.memory_space<hbm>> -> memref<33280xf32, #tpu.memory_space<hbm>>
      %dma_start3A_355 = tpu.memref_slice %arg5[%multiple_of3A_351] : memref<5488640xf32, #tpu.memory_space<hbm>> -> memref<33280xf32, #tpu.memory_space<hbm>>
      tpu.enqueue_dma source(%arg15 : memref<33280xf32, #tpu.memory_space<vmem>>) target(%dma_start3A_355 : memref<33280xf32, #tpu.memory_space<hbm>>) target_semaphore(%arg16 : memref<!tpu.dma_semaphore, #tpu.memory_space<semaphore_mem>>)
      %dma_wait3A_356 = tpu.memref_slice %arg4[%multiple_of3A_351] : memref<5488640xi32, #tpu.memory_space<hbm>> -> memref<33280xi32, #tpu.memory_space<hbm>>
      %dma_wait3A_357 = tpu.memref_slice %arg4[%multiple_of3A_351] : memref<5488640xi32, #tpu.memory_space<hbm>> -> memref<33280xi32, #tpu.memory_space<hbm>>
      tpu.wait_dma2 semaphore(%arg16 : memref<!tpu.dma_semaphore, #tpu.memory_space<semaphore_mem>>) src(%arg14 : memref<33280xi32, #tpu.memory_space<vmem>>) dst(%dma_wait3A_357 : memref<33280xi32, #tpu.memory_space<hbm>>)
      %dma_wait3A_358 = tpu.memref_slice %arg5[%multiple_of3A_351] : memref<5488640xf32, #tpu.memory_space<hbm>> -> memref<33280xf32, #tpu.memory_space<hbm>>
      %dma_wait3A_359 = tpu.memref_slice %arg5[%multiple_of3A_351] : memref<5488640xf32, #tpu.memory_space<hbm>> -> memref<33280xf32, #tpu.memory_space<hbm>>
      tpu.wait_dma2 semaphore(%arg16 : memref<!tpu.dma_semaphore, #tpu.memory_space<semaphore_mem>>) src(%arg15 : memref<33280xf32, #tpu.memory_space<vmem>>) dst(%dma_wait3A_359 : memref<33280xf32, #tpu.memory_space<hbm>>)
    }
    %scan3A_22 = arith.constant 5 : i32
    return
  }
}

module attributes {stable_mosaic.version = 14 : i64} {
  func.func @_prep_body(%arg0: i32, %arg1: memref<5x16384xi32, #tpu.memory_space<vmem>>, %arg2: memref<5x16384xf32, #tpu.memory_space<vmem>>, %arg3: memref<5x128x128xi32, #tpu.memory_space<vmem>>, %arg4: memref<5x128x128xf32, #tpu.memory_space<vmem>>) attributes {dimension_semantics = [#tpu.dimension_semantics<arbitrary>], iteration_bounds = array<i64: 64>, scalar_prefetch = 0 : i64, scratch_operands = 0 : i64, tpu.core_type = #tpu.core_type<tc>, window_params = [{transform_indices = @transform_0, window_bounds = array<i64: 5, 16384>}, {transform_indices = @transform_1, window_bounds = array<i64: 5, 16384>}, {transform_indices = @transform_2, window_bounds = array<i64: 5, 128, 128>}, {transform_indices = @transform_3, window_bounds = array<i64: 5, 128, 128>}]} {
    %get3A = arith.constant 0 : index
    %get3A_0 = arith.constant 0 : index
    %get3A_1 = vector.load %arg1[%get3A, %get3A_0] : memref<5x16384xi32, #tpu.memory_space<vmem>>, vector<5x16384xi32>
    %reshape3A = vector.shape_cast %get3A_1 : vector<5x16384xi32> to vector<5x128x128xi32>
    %swap3A = arith.constant 0 : index
    %swap3A_2 = arith.constant 0 : index
    %swap3A_3 = arith.constant 0 : index
    %swap3A_4 = vector.load %arg3[%swap3A, %swap3A_2, %swap3A_3] : memref<5x128x128xi32, #tpu.memory_space<vmem>>, vector<5x128x128xi32>
    tpu.vector_store %arg3[%swap3A, %swap3A_2, %swap3A_3], %reshape3A {strides = array<i32>} : memref<5x128x128xi32, #tpu.memory_space<vmem>>, vector<5x128x128xi32>,
    %get3A_5 = arith.constant 0 : index
    %get3A_6 = arith.constant 0 : index
    %get3A_7 = vector.load %arg2[%get3A_5, %get3A_6] : memref<5x16384xf32, #tpu.memory_space<vmem>>, vector<5x16384xf32>
    %reshape3A_8 = vector.shape_cast %get3A_7 : vector<5x16384xf32> to vector<5x128x128xf32>
    %swap3A_9 = arith.constant 0 : index
    %swap3A_10 = arith.constant 0 : index
    %swap3A_11 = arith.constant 0 : index
    %swap3A_12 = vector.load %arg4[%swap3A_9, %swap3A_10, %swap3A_11] : memref<5x128x128xf32, #tpu.memory_space<vmem>>, vector<5x128x128xf32>
    tpu.vector_store %arg4[%swap3A_9, %swap3A_10, %swap3A_11], %reshape3A_8 {strides = array<i32>} : memref<5x128x128xf32, #tpu.memory_space<vmem>>, vector<5x128x128xf32>,
    return
  }
  func.func @transform_0(%arg0: i32) -> (i32, i32) {
    %c0_i32 = arith.constant 0 : i32
    %c0_i32_0 = arith.constant 0 : i32
    return %c0_i32, %arg0 : i32, i32
  }
  func.func @transform_1(%arg0: i32) -> (i32, i32) {
    %c0_i32 = arith.constant 0 : i32
    %c0_i32_0 = arith.constant 0 : i32
    return %c0_i32, %arg0 : i32, i32
  }
  func.func @transform_2(%arg0: i32) -> (i32, i32, i32) {
    %c0_i32 = arith.constant 0 : i32
    %c0_i32_0 = arith.constant 0 : i32
    %c0_i32_1 = arith.constant 0 : i32
    return %c0_i32, %arg0, %c0_i32_0 : i32, i32, i32
  }
  func.func @transform_3(%arg0: i32) -> (i32, i32, i32) {
    %c0_i32 = arith.constant 0 : i32
    %c0_i32_0 = arith.constant 0 : i32
    %c0_i32_1 = arith.constant 0 : i32
    return %c0_i32, %arg0, %c0_i32_0 : i32, i32, i32
  }
}

module attributes {stable_mosaic.version = 14 : i64} {
  func.func @_merge_body(%arg0: i32, %arg1: memref<8x131072xf32, #tpu.memory_space<vmem>>, %arg2: memref<8x131072xf32, #tpu.memory_space<vmem>>, %arg3: memref<8x131072xf32, #tpu.memory_space<vmem>>, %arg4: memref<1x1xf32, #tpu.memory_space<smem>>, %arg5: memref<1x1xf32, #tpu.memory_space<smem>>) attributes {dimension_semantics = [#tpu.dimension_semantics<arbitrary>], iteration_bounds = array<i64: 10>, scalar_prefetch = 0 : i64, scratch_operands = 1 : i64, tpu.core_type = #tpu.core_type<tc>, window_params = [{transform_indices = @transform_0, window_bounds = array<i64: 8, 131072>}, {transform_indices = @transform_1, window_bounds = array<i64: 8, 131072>}, {transform_indices = @transform_2, window_bounds = array<i64: 8, 131072>}, {transform_indices = @transform_3, window_bounds = array<i64: 1, 1>}]} {
    %get3A = arith.constant 0 : index
    %get3A_0 = arith.constant 0 : index
    %get3A_1 = vector.load %arg1[%get3A, %get3A_0] : memref<8x131072xf32, #tpu.memory_space<vmem>>, vector<8x131072xf32>
    %get3A_2 = arith.constant 0 : index
    %get3A_3 = arith.constant 0 : index
    %get3A_4 = vector.load %arg2[%get3A_2, %get3A_3] : memref<8x131072xf32, #tpu.memory_space<vmem>>, vector<8x131072xf32>
    %ge3A = arith.constant 0.000000e+00 : f32
    %ge3A_5 = vector.broadcast %ge3A : f32 to vector<8x131072xf32>
    %ge3A_6 = arith.cmpf oge, %get3A_1, %ge3A_5 : vector<8x131072xf32>
    %ge3A_7 = arith.constant 0.000000e+00 : f32
    %ge3A_8 = vector.broadcast %ge3A_7 : f32 to vector<8x131072xf32>
    %ge3A_9 = arith.cmpf oge, %get3A_4, %ge3A_8 : vector<8x131072xf32>
    %and3A = arith.andi %ge3A_6, %ge3A_9 : vector<8x131072xi1>
    %mul3A = arith.constant 0.949999988 : f32
    %mul3A_10 = vector.broadcast %mul3A : f32 to vector<8x131072xf32>
    %mul3A_11 = arith.mulf %get3A_1, %mul3A_10 : vector<8x131072xf32>
    %max3A = arith.maximumf %mul3A_11, %get3A_4 : vector<8x131072xf32>
    %select_n3A = arith.select %and3A, %max3A, %get3A_1 : vector<8x131072xi1>, vector<8x131072xf32>
    %swap3A = arith.constant 0 : index
    %swap3A_12 = arith.constant 0 : index
    %swap3A_13 = vector.load %arg3[%swap3A, %swap3A_12] : memref<8x131072xf32, #tpu.memory_space<vmem>>, vector<8x131072xf32>
    tpu.vector_store %arg3[%swap3A, %swap3A_12], %select_n3A {strides = array<i32>} : memref<8x131072xf32, #tpu.memory_space<vmem>>, vector<8x131072xf32>,
    %eq3A = arith.constant 0 : i32
    %eq3A_14 = arith.cmpi eq, %arg0, %eq3A : i32
    %convert_element_type3A = arith.extui %eq3A_14 : i1 to i32
    %cond3A = arith.constant 0 : i32
    %cond3A_15 = arith.cmpi ne, %convert_element_type3A, %cond3A : i32
    scf.if %cond3A_15 {
      %swap3A_31 = arith.constant 0.000000e+00 : f32
      %swap3A_32 = arith.constant 0 : index
      %swap3A_33 = arith.constant 0 : index
      %swap3A_34 = memref.load %arg5[%swap3A_32, %swap3A_33] : memref<1x1xf32, #tpu.memory_space<smem>>
      memref.store %swap3A_31, %arg5[%swap3A_32, %swap3A_33] : memref<1x1xf32, #tpu.memory_space<smem>>
    } else {
    }
    %get3A_16 = arith.constant 0 : index
    %get3A_17 = arith.constant 0 : index
    %get3A_18 = memref.load %arg5[%get3A_16, %get3A_17] : memref<1x1xf32, #tpu.memory_space<smem>>
    %reduce_sum3A = vector.shape_cast %select_n3A : vector<8x131072xf32> to vector<1x8x131072xf32>
    %reduce_sum3A_19 = arith.constant dense<0.000000e+00> : vector<1xf32>
    %reduce_sum3A_20 = vector.multi_reduction <add>, %reduce_sum3A, %reduce_sum3A_19 [1, 2] : vector<1x8x131072xf32> to vector<1xf32>
    %reduce_sum3A_21 = vector.shape_cast %reduce_sum3A_20 : vector<1xf32> to vector<1x1x1xf32>
    %reduce_sum3A_22 = vector.extract %reduce_sum3A_21[0, 0, 0] : f32 from vector<1x1x1xf32>
    %add3A = arith.addf %get3A_18, %reduce_sum3A_22 : f32
    %swap3A_23 = arith.constant 0 : index
    %swap3A_24 = arith.constant 0 : index
    %swap3A_25 = memref.load %arg5[%swap3A_23, %swap3A_24] : memref<1x1xf32, #tpu.memory_space<smem>>
    memref.store %add3A, %arg5[%swap3A_23, %swap3A_24] : memref<1x1xf32, #tpu.memory_space<smem>>
    %eq3A_26 = arith.constant 9 : i32
    %eq3A_27 = arith.cmpi eq, %arg0, %eq3A_26 : i32
    %convert_element_type3A_28 = arith.extui %eq3A_27 : i1 to i32
    %cond3A_29 = arith.constant 0 : i32
    %cond3A_30 = arith.cmpi ne, %convert_element_type3A_28, %cond3A_29 : i32
    scf.if %cond3A_30 {
      %get3A_31 = arith.constant 0 : index
      %get3A_32 = arith.constant 0 : index
      %get3A_33 = memref.load %arg5[%get3A_31, %get3A_32] : memref<1x1xf32, #tpu.memory_space<smem>>
      %div3A = arith.constant 0x4B200000 : f32
      %div3A_34 = arith.divf %get3A_33, %div3A : f32
      %swap3A_35 = arith.constant 0 : index
      %swap3A_36 = arith.constant 0 : index
      %swap3A_37 = memref.load %arg4[%swap3A_35, %swap3A_36] : memref<1x1xf32, #tpu.memory_space<smem>>
      memref.store %div3A_34, %arg4[%swap3A_35, %swap3A_36] : memref<1x1xf32, #tpu.memory_space<smem>>
    } else {
    }
    return
  }
  func.func @transform_0(%arg0: i32) -> (i32, i32) {
    %c0_i32 = arith.constant 0 : i32
    %c0_i32_0 = arith.constant 0 : i32
    return %arg0, %c0_i32 : i32, i32
  }
  func.func @transform_1(%arg0: i32) -> (i32, i32) {
    %c0_i32 = arith.constant 0 : i32
    %c0_i32_0 = arith.constant 0 : i32
    return %arg0, %c0_i32 : i32, i32
  }
  func.func @transform_2(%arg0: i32) -> (i32, i32) {
    %c0_i32 = arith.constant 0 : i32
    %c0_i32_0 = arith.constant 0 : i32
    return %arg0, %c0_i32 : i32, i32
  }
  func.func @transform_3(%arg0: i32) -> (i32, i32) {
    %c0_i32 = arith.constant 0 : i32
    %c0_i32_0 = arith.constant 0 : i32
    %c0_i32_1 = arith.constant 0 : i32
    return %c0_i32, %c0_i32_0 : i32, i32
  }
}

</mosaic_0001>

<sc_bundles>
// kernel: kernel.6.cloned.1.call-start
scs
__scs_entry_jumppad:
0x0: {  	(pc) =	sbr.rel $0x88, $3  }
0x1: {  	(tag) =	ssettag $0x0;
	lr =	simm.s32 $0x1  }
0x2: {  	[smem:$0x3F9E] =	sst lr;
	_ =	strace $0xD0000000  }
0x3: {  	_ = 	snop  }
0x4: {  	_ = 	snop  }
0x5: {  	_ = 	snop  }
0x6: {  	_ = 	snop  }
0x7: {  	_ = 	snop  }
__scs_overlays_trampoline_lowered:
0x8: {  	[smem:$0x3FAD] =	sst s0  }
0x9: {  	[smem:$0x3FAE] =	sst s1  }
0xa: {  	[smem:$0x3FAF] =	sst s2  }
0xb: {  	[smem:$0x3FB0] =	sst s3  }
0xc: {  	[smem:$0x3FB1] =	sst s4  }
0xd: {  	[smem:$0x3FB2] =	sst s5  }
0xe: {  	[smem:$0x3FB3] =	sst s6  }
0xf: {  	[smem:$0x3FB4] =	sst s7  }
0x10: {  	[smem:$0x3FB5] =	sst s8  }
0x11: {  	[smem:$0x3FB6] =	sst s9;
	s0 =	simm.s32 @!p0 $0x0  }
0x12: {  	s1 =	sld [smem:$0x3F9C];
	s0 =	simm.s32 @p0 $0x1  }
0x13: {  	[smem:$0x3FB7] =	sst s0;
	s0 =	simm.s32 @!p1 $0x0  }
0x14: {  	s2 =	sld [smem:$0x3F9B];
	s0 =	simm.s32 @p1 $0x1  }
0x15: {  	[smem:$0x3FB8] =	sst s0;
	s0 =	simm.s32 @!p2 $0x0  }
0x16: {  	s3 =	sld [smem:$0x3FDB];
	s0 =	simm.s32 @p2 $0x1  }
0x17: {  	s4 =	simm.s32 $0x1BF5;
	[smem:$0x3FBA] =	sst s0  }
0x18: {  	s0 =	sld [smem:$0x3F9D];
	_ =	swait.ge [sflag:s4], $0x0  }
0x19: {  	s7 =	sld [smem:$0x3F9E]  }
0x1a: {  	s8 =	sadd.s32 $0xFFFFE003, lr  }
0x1b: {  	s9 =	sadd.s32 $0xFFFFFEF7, lr;
	s5 =	simm.s32 $0xFFFFFFFF;
	p2 =	slt.u32 s8, $0xFFFFF086  }
0x1c: {  	p1 =	slt.u32 s9, $0xF7A;
	s5 =	simm.s32 @!p2 $0x0  }
0x1d: {  	s5 =	simm.s32 @p1 $0x1;
	p0 =	seq.s32 s7, s2  }
0x1e: {  	s7 =	smul.u32 @!p0 $0xF7A, s2;
	p2 =	seq.s32 @!p0 s5, $0x0  }
0x1f: {  	s9 =	smul.u32 $0xF7A, s1;
	s8 =	simm.s32 @!p0 $0x1BF5;
	p2 =	por !p2, p0  }
0x20: {  	[sflag:s8] =	ssyncset.s32 @!p0 $0xFFFFF086;
	s6 =	sadd.s32 @!p0 s3, s7;
	s7 =	simm.s32 @!p0 $0x108  }
0x21: {  	s3 =	sadd.s32 s3, s9;
	s6 =	sadd.s32 @!p0 $0x88, s6;
	s7 =	simm.s32 @p2 $0x1082  }
0x22: {  	[simem:s7], [sflag:s8] =	dma.local @!p0 [hbm:s6], $0xF7A  }
0x23: {  	s9 =	sor.u32 $0xD0000000, s2;
	s6 =	simm.s32 $0x108;
	_ =	swait.ge @!p0 [sflag:s8], $0x0  }
0x24: {  	s3 =	sadd.s32 $0x88, s3;
	s6 =	simm.s32 @!p1 $0x1082;
	[sflag:s4] =	ssyncset.s32 $0xFFFFF086  }
0x25: {  	[simem:s6], [sflag:s4] =	dma.local [hbm:s3], $0xF7A  }
0x26: {  	[smem:$0x3F9E] =	sst s1;
	(tag) =	ssettag s2;
	_ =	strace s9  }
0x27: {  	s1 =	sld [smem:$0x3FAE]  }
0x28: {  	s2 =	sld [smem:$0x3FAF]  }
0x29: {  	s4 =	sld [smem:$0x3FB1]  }
0x2a: {  	p0 =	seq.s32 s5, $0x0;
	s5 =	sld [smem:$0x3FB2]  }
0x2b: {  	s6 =	sld [smem:$0x3FB3]  }
0x2c: {  	s7 =	sld [smem:$0x3FB4]  }
0x2d: {  	s3 =	simm.s32 $0x108;
	s8 =	sld [smem:$0x3FB5]  }
0x2e: {  	s3 =	simm.s32 @!p0 $0x1082;
	s9 =	sld [smem:$0x3FB6]  }
0x2f: {  	lr =	sadd.s32 s0, s3;
	s0 =	sld [smem:$0x3FAD]  }
0x30: {  	s3 =	sld [smem:$0x3FB0]  }
0x31: {  	[smem:$0x3FB9] =	sst s10  }
0x32: {  	s10 =	sld [smem:$0x3FB7];
	_ =	sdelay $0x3  }
0x33: {  	p0 =	seq.s32 s10, $0x1;
	s10 =	sld [smem:$0x3FB9];
	_ =	sdelay $0x3  }
0x34: {  	[smem:$0x3FB9] =	sst s10  }
0x35: {  	s10 =	sld [smem:$0x3FB8];
	_ =	sdelay $0x3  }
0x36: {  	p1 =	seq.s32 s10, $0x1;
	s10 =	sld [smem:$0x3FB9];
	_ =	sdelay $0x3  }
0x37: {  	[smem:$0x3FB9] =	sst s10  }
0x38: {  	s10 =	sld [smem:$0x3FBA]  }
0x39: {  	_ = 	snop;
	(pc) =	sbr.ind lr, $3  }
0x3a: {  	_ = 	snop  }
0x3b: {  	_ = 	snop  }
0x3c: {  	p2 =	seq.s32 s10, $0x1;
	s10 =	sld [smem:$0x3FB9]  }
0x3d: {  	_ =	shalt  }
0x3e: {  	_ =	shalt  }
0x3f: {  	_ =	shalt  }
0x40: {  	_ =	shalt  }
0x41: {  	_ =	shalt  }
0x42: {  	_ =	shalt  }
0x43: {  	_ =	shalt  }
0x44: {  	_ =	shalt  }
0x45: {  	_ =	shalt  }
0x46: {  	_ =	shalt  }
0x47: {  	_ =	shalt  }
0x48: {  	_ =	shalt  }
0x49: {  	_ =	shalt  }
0x4a: {  	_ =	shalt  }
0x4b: {  	_ =	shalt  }
0x4c: {  	_ =	shalt  }
0x4d: {  	_ =	shalt  }
0x4e: {  	_ =	shalt  }
0x4f: {  	_ =	shalt  }
0x50: {  	_ =	shalt  }
0x51: {  	_ =	shalt  }
0x52: {  	_ =	shalt  }
0x53: {  	_ =	shalt  }
0x54: {  	_ =	shalt  }
0x55: {  	_ =	shalt  }
0x56: {  	_ =	shalt  }
0x57: {  	_ =	shalt  }
0x58: {  	_ =	shalt  }
0x59: {  	_ =	shalt  }
0x5a: {  	_ =	shalt  }
0x5b: {  	_ =	shalt  }
0x5c: {  	_ =	shalt  }
0x5d: {  	_ =	shalt  }
0x5e: {  	_ =	shalt  }
0x5f: {  	_ =	shalt  }
0x60: {  	_ =	shalt  }
0x61: {  	_ =	shalt  }
0x62: {  	_ =	shalt  }
0x63: {  	_ =	shalt  }
0x64: {  	_ =	shalt  }
0x65: {  	_ =	shalt  }
0x66: {  	_ =	shalt  }
0x67: {  	_ =	shalt  }
0x68: {  	_ =	shalt  }
0x69: {  	_ =	shalt  }
0x6a: {  	_ =	shalt  }
0x6b: {  	_ =	shalt  }
0x6c: {  	_ =	shalt  }
0x6d: {  	_ =	shalt  }
0x6e: {  	_ =	shalt  }
0x6f: {  	_ =	shalt  }
0x70: {  	_ =	shalt  }
0x71: {  	_ =	shalt  }
0x72: {  	_ =	shalt  }
0x73: {  	_ =	shalt  }
0x74: {  	_ =	shalt  }
0x75: {  	_ =	shalt  }
0x76: {  	_ =	shalt  }
0x77: {  	_ =	shalt  }
0x78: {  	_ =	shalt  }
0x79: {  	_ =	shalt  }
0x7a: {  	_ =	shalt  }
0x7b: {  	_ =	shalt  }
0x7c: {  	_ =	shalt  }
0x7d: {  	_ =	shalt  }
0x7e: {  	_ =	shalt  }
0x7f: {  	_ =	shalt  }
0x80: {  	_ =	shalt  }
0x81: {  	_ =	shalt  }
0x82: {  	_ =	shalt  }
0x83: {  	_ =	shalt  }
0x84: {  	_ =	shalt  }
0x85: {  	_ =	shalt  }
0x86: {  	_ =	shalt  }
0x87: {  	_ =	shalt  }
.Lfunc_end0:
.L_simem_size_0:
called_computation_lowered:
.L_overlay_start_0:
0x88: {  	s2 =	sld [smem:$0x3FD9]  }
0x89: {  	s3 =	sld [smem:$0x3FFE];
	_ =	sdelay $0x1  }
0x8a: {  	s1 =	srdreg.scid  }
0x8b: {  	s0 =	sand.u32 $0x1, s1  }
0x8c: {  	s14 =	sshll.u32 s0, $0xA;
	s2 =	sadd.s32 s3, s2  }
0x8d: {  	s2 =	sadd.s32 s2, s14  }
0x8e: {  	[smem:$0x3FC5] =	sst s2  }
0x8f: {  	_ = 	snop  }
0x90: {  	s2 =	sld [smem:$0x3FD0];
	_ =	sdelay $0x2  }
0x91: {  	s15 =	simm.s32 $0xA;
	s4 =	simm.s32 $0x10  }
0x92: {  	[smem:s4], [sflag:s15] =	dma.local [hbm:s2], $0x1  }
0x93: {  	_ =	swait.eq [sflag:s15], $0x1  }
0x94: {  	[sflag:s15] =	ssyncset.done $0x0  }
0x95: {  	[sflag:s15] =	ssyncadd.s32 $0xFFFFFFFF  }
0x96: {  	s16 =	sld [smem:$0x10];
	(tm) =	ssettm $0x1  }
0x97: {  	s17 =	sld [smem:$0x3FFB];
	_ =	sdelay $0x3  }
0x98: {  	_ =	strace s17  }
0x99: {  	s3 =	sld [smem:$0x3FFC];
	_ =	sdelay $0x3  }
0x9a: {  	_ =	strace s3  }
0x9b: {  	s3 =	sld [smem:$0x3FFD];
	_ =	sdelay $0x3  }
0x9c: {  	_ =	strace s3  }
0x9d: {  	_ =	strace $0x8FFFFFFF  }
0x9e: {  	s18 =	sld [smem:$0x3FDB];
	_ =	sdelay $0x1  }
0x9f: {  	s19 =	simm.s32 $_scs_section_size  }
0xa0: {  	s5 =	simm.s32 $_size__tile_overlayer_lowered;
	s6 =	simm.s32 $_tile_overlayer_lowered  }
0xa1: {  	s22 =	simm.s32 $0x1BFF;
	s21 =	sshll.u32 s6, $0x1;
	s3 =	sadd.s32 s19, s18  }
0xa2: {  	s7 =	simm.s32 $0x0;
	s20 =	sshll.u32 s5, $0x1;
	s5 =	sadd.s32 s21, s3  }
0xa3: {  	[timem:s7], [sflag:s22] =	dma.local [hbm:s5], s20  }
0xa4: {  	_ =	swait.ge [sflag:s22], s20  }
0xa5: {  	s4 =	ssub.s32 $0x0, s20;
	[sflag:s22] =	ssyncset.done $0x0  }
0xa6: {  	[sflag:s22] =	ssyncadd.s32 s4;
	_ =	sdelay $0x1  }
0xa7: {  	s23 =	simm.s32 $0x1B8B  }
0xa8: {  	_ =	swait.ge [sflag:s23], $0x1  }
0xa9: {  	[sflag:s23] =	ssyncset.done $0x0  }
0xaa: {  	s25 =	simm.s32 $0x1B8E;
	s24 =	sld [smem:$0x3FFE];
	[sflag:s23] =	ssyncadd.s32 $0xFFFFFFFF  }
0xab: {  	s26 =	simm.s32 $execute0_lowered;
	[smem:$0x3FD2] =	sst s25  }
0xac: {  	s5 =	sshll.u32 s26, $0x1;
	_ =	strace $0x80000046;
	[dreg:$0x1] =	wrdreg $0xFFFFFFFF  }
0xad: {  	s28 =	simm.s32 $_size_execute0_lowered;
	s3 =	sadd.s32 s3, s5;
	[dreg:$0x0] =	wrdreg $0x0  }
0xae: {  	s5 =	sshll.u32 s28, $0x1;
	[dreg:$0x2] =	wrdreg s3  }
0xaf: {  	[dreg:$0x3] =	wrdreg s5  }
0xb0: {  	[dreg:$0x4] =	wrdreg $0xC0  }
0xb1: {  	_ =	task [dreg:s7], $0x5FFFF  }
0xb2: {  	[dreg:$0x1] =	wrdreg $0xFFFFFFFF  }
0xb3: {  	[dreg:$0x0] =	wrdreg $0x60  }
0xb4: {  	[dreg:$0x2] =	wrdreg s24  }
0xb5: {  	[dreg:$0x3] =	wrdreg s16  }
0xb6: {  	[dreg:$0x4] =	wrdreg $0x9  }
0xb7: {  	_ =	task.clear_ibuf [dreg:s7], $0x5FFFF;
	_ =	strace $0x90000046  }
0xb8: {  	s29 =	simm.s32 $0x9;
	_ =	strace $0x80000048  }
0xb9: {  	_ =	swait.ge [sflag:s29], $0x1  }
0xba: {  	[sflag:s29] =	ssyncadd.s32 $0xFFFFFFFF  }
0xbb: {  	_ =	strace $0x90000048  }
0xbc: {  	_ =	sfence  }
0xbd: {  	s30 =	sld [smem:$0x0];
	_ =	sdelay $0x2  }
0xbe: {  	s31 =	sshll.u32 s1, $0xD;
	s1 =	sshrl.u32 s1, $0x2  }
0xbf: {  	s3 =	sand.u32 $0x4000, s31;
	s1 =	sadd.s32 s1, s30  }
0xc0: {  	s0 =	sor.u32 s3, s0;
	s1 =	sshll.u32 s1, $0x11  }
0xc1: {  	s0 =	sor.u32 s1, s0  }
0xc2: {  	s0 =	sadd.s32 $0x8F2B, s0  }
0xc3: {  	[sflag:s0] =	ssyncadd.remote.s32 $0x1  }
0xc4: {  	_ =	sfence.sel $0xFFFF  }
0xc5: {  	[dreg:$0x0] =	wrdreg $0xFFFFFFFF;
	(pc) =	sbr.abs _section_cstart, $3  }
0xc6: {  	[dreg:$0x1] =	wrdreg $0xFFFFFFFF  }
0xc7: {  	_ =	task.clear_ibuf [dreg:s7], $0x2FFFF;
	_ =	strace $0x9FFFFFFF  }
0xc8: {  	(tm) =	ssettm $0x7FFFFFFF  }
0xc9: {  	_ =	shalt  }
tec
execute0_lowered:
.L_overlay_start_1:
0x0: {  	(tag) =	ssettag $0x1  }
0x1: {  	s0 =	rddreg [dreg:$0x0]  }
0x2: {  	s1 =	rddreg [dreg:$0x1];
	s2 =	simm.s32 $0x0  }
0x3: {  	s3 =	srdreg.scid;
	s8 =	stileid.u32;
	s19 =	simm.s32 $0x1  }
0x4: {  	v0 =	vimm.s32 $0x65432100;
	v2 =	vimm.s32 $0xFFEDCBA9;
	s20 =	simm.s32 $0xA000;
	s22 =	simm.s32 $0x2;
	s24 =	simm.s32 $0x8000  }
0x5: {  	v3 =	vimm.s32 $0x87654321;
	s25 =	simm.s32 $0xA300;
	s26 =	simm.s32 $0xA380;
	s28 =	simm.s32 $0x12580  }
0x6: {  	v1 =	vimm.s32 $0xEDCBA987;
	[smem:$0x7FF] =	sst s2;
	s4 =	sadd.s32 $0x1200, s0;
	s5 =	sadd.s32 $0xA1200, s0;
	v2 =	vunpack.c.l.s4.s8 v2;
	v3 =	vunpack.c.l.s4.s8 v3  }
0x7: {  	vm0 =	vcmask $0x3F3C;
	s6 =	sadd.s32 $0x148A00, s0;
	s3 =	sand.u32 $0x1, s3;
	s7 =	sadd.s32 $0x1F0200, s0;
	v1 =	vunpack.c.l.s4.s8 v1  }
0x8: {  	s8 =	sshll.u32 s8, $0x1;
	s9 =	sadd.s32 $0x1F0600, s0;
	v4 =	vunpack.c.l.s4.s8 v0;
	s10 =	ssub.s32 $0x2, s3;
	v6 =	vunpack.c.0.s8.s32 v2;
	v3 =	vunpack.c.0.s8.s32 v3  }
0x9: {  	v0 =	vimm.s32 $0x0;
	_ =	strace $0x80000047;
	s8 =	sor.u32 s3, s8;
	s11 =	sshrl.u32 s10, $0x1;
	v5 =	vunpack.c.0.s8.s32 v1;
	v1 =	vlaneseq.u32  }
0xa: {  	s3 =	simm.s32 $0x0;
	v7 =	vunpack.c.0.s8.s32 v4;
	s31 =	ssub.s32 s10, s11;
	s10 =	sshll.u32 s8, $0xF;
	v2 =	vmul.u32 $0x20, v1;
	v6 =	vcombine.low v3, v6  }
0xb: {  	s14 =	sshll.u32 s8, $0x2;
	v4 =	vor.u32 $0x80000000, v1;
	s11 =	sor.u32 $0x2000, s10;
	s0 =	smax.u32 s31, $0x1;
	v5 =	vand.u32 $0xF, v5;
	v3 =	vimm.s32 $0x1  }
0xc: {  	s12 =	sor.u32 $0x4000, s10;
	s13 =	sor.u32 $0x6000, s10;
	[dreg:$0x3] =	wrdreg s0;
	v5 =	vcombine.low v7, v5;
	v7 =	vadd.s32 $0x1, v1;
	v6 =	vand.u32 $0xF, v6  }
.LBB2_1:
0xd: {  	[dreg:$0x4] =	wrdreg s3;
	s30 =	simm.s32 $0x0  }
.LBB2_2:
0xe: {  	[tilespmem:$0xA000] =	vst v0  }
0xf: {  	[tilespmem:$0xA010] =	vst v0  }
0x10: {  	[tilespmem:$0xA020] =	vst v0  }
0x11: {  	[tilespmem:$0xA030] =	vst v0  }
0x12: {  	[tilespmem:$0xA040] =	vst v0  }
0x13: {  	[tilespmem:$0xA050] =	vst v0  }
0x14: {  	[tilespmem:$0xA060] =	vst v0  }
0x15: {  	[tilespmem:$0xA070] =	vst v0  }
0x16: {  	[tilespmem:$0xA080] =	vst v0  }
0x17: {  	[tilespmem:$0xA090] =	vst v0  }
0x18: {  	[tilespmem:$0xA0A0] =	vst v0  }
0x19: {  	[tilespmem:$0xA0B0] =	vst v0  }
0x1a: {  	[tilespmem:$0xA0C0] =	vst v0  }
0x1b: {  	[tilespmem:$0xA0D0] =	vst v0  }
0x1c: {  	[tilespmem:$0xA0E0] =	vst v0  }
0x1d: {  	[tilespmem:$0xA0F0] =	vst v0  }
0x1e: {  	[tilespmem:$0xA100] =	vst v0  }
0x1f: {  	[tilespmem:$0xA110] =	vst v0  }
0x20: {  	[tilespmem:$0xA120] =	vst v0  }
0x21: {  	[tilespmem:$0xA130] =	vst v0  }
0x22: {  	[tilespmem:$0xA140] =	vst v0  }
0x23: {  	[tilespmem:$0xA150] =	vst v0  }
0x24: {  	[tilespmem:$0xA160] =	vst v0  }
0x25: {  	[tilespmem:$0xA170] =	vst v0  }
0x26: {  	[tilespmem:$0xA180] =	vst v0  }
0x27: {  	[tilespmem:$0xA190] =	vst v0  }
0x28: {  	[tilespmem:$0xA1A0] =	vst v0  }
0x29: {  	[tilespmem:$0xA1B0] =	vst v0  }
0x2a: {  	[tilespmem:$0xA1C0] =	vst v0;
	s3 =	sshll.u32 s30, $0x14  }
0x2b: {  	[tilespmem:$0xA1D0] =	vst v0;
	s31 =	sor.u32 s10, s3  }
0x2c: {  	[tilespmem:$0xA1E0] =	vst v0;
	s0 =	sshrl.u32 s31, $0x3  }
0x2d: {  	[tilespmem:$0xA1F0] =	vst v0;
	s18 =	sor.u32 s11, s3;
	s15 =	sadd.s32 s4, s0;
	s0 =	simm.s32 $0x0  }
0x2e: {  	[tilespmem:s0], [sflag:$0x1] =	stream.linear.gather [hbm4b:s15+s0], $0x2000, $0x38;
	[tilespmem:$0x1A780] =	vst v63  }
0x2f: {  	s15 =	sshrl.u32 s18, $0x3  }
0x30: {  	s16 =	simm.s32 $0x2000;
	s21 =	sor.u32 s12, s3;
	s15 =	sadd.s32 s4, s15  }
0x31: {  	[tilespmem:s16], [sflag:$0x1] =	stream.linear.gather [hbm4b:s15+s0], $0x2000, $0x38;
	[tilespmem:$0x1A780] =	vst v63  }
0x32: {  	s3 =	sor.u32 s13, s3;
	s15 =	sshrl.u32 s21, $0x3  }
0x33: {  	s23 =	simm.s32 $0x4000;
	s3 =	sshrl.u32 s3, $0x3;
	s15 =	sadd.s32 s4, s15  }
0x34: {  	[tilespmem:s23], [sflag:$0x1] =	stream.linear.gather [hbm4b:s15+s0], $0x2000, $0x38;
	[tilespmem:$0x1A780] =	vst v63  }
0x35: {  	s29 =	simm.s32 $0x6000;
	s3 =	sadd.s32 s4, s3  }
0x36: {  	[tilespmem:s29], [sflag:$0x1] =	stream.linear.gather [hbm4b:s3+s0], $0x2000, $0x38;
	[tilespmem:$0x1A780] =	vst v63  }
0x37: {  	_ =	swait.ge [sflag:s19], $0x2000  }
0x38: {  	[sflag:s19] =	ssyncset.done $0x0  }
0x39: {  	[sflag:s19] =	ssyncadd.s32 $0xFFFFE000  }
0x3a: {  	_ =	swait.ge [sflag:s19], $0x2000  }
0x3b: {  	[sflag:s19] =	ssyncset.done $0x0  }
0x3c: {  	[sflag:s19] =	ssyncadd.s32 $0xFFFFE000  }
0x3d: {  	_ =	swait.ge [sflag:s19], $0x2000  }
0x3e: {  	[sflag:s19] =	ssyncset.done $0x0  }
0x3f: {  	[sflag:s19] =	ssyncadd.s32 $0xFFFFE000  }
0x40: {  	_ =	swait.ge [sflag:s19], $0x2000  }
0x41: {  	[sflag:s19] =	ssyncset.done $0x0  }
0x42: {  	[sflag:s19] =	ssyncadd.s32 $0xFFFFE000  }
.LBB2_3:
0x43: {  	s3 =	sshra.s32 s0, $0x2  }
0x44: {  	v8 =	vld [tilespmem:s3+$0x0];
	_ =	sdelay $0x4  }
0x45: {  	v8 =	vshra.s32 v8, $0x10  }
0x46: {  	v8 =	vor.u32 v2, v8;
	_ =	sdelay $0x4  }
0x47: {  	[tilespmem:v8+s20+$0x0] =	vst.idx.add.s32.msk $0xffff, v3  }
0x48: {  	v8 =	vld [tilespmem:s3+$0x10];
	_ =	sdelay $0x4  }
0x49: {  	v8 =	vshra.s32 v8, $0x10  }
0x4a: {  	v8 =	vor.u32 v2, v8;
	_ =	sdelay $0x4  }
0x4b: {  	[tilespmem:v8+s20+$0x0] =	vst.idx.add.s32.msk $0xffff, v3  }
0x4c: {  	v8 =	vld [tilespmem:s3+$0x20];
	_ =	sdelay $0x4  }
0x4d: {  	v8 =	vshra.s32 v8, $0x10  }
0x4e: {  	v8 =	vor.u32 v2, v8;
	_ =	sdelay $0x4  }
0x4f: {  	[tilespmem:v8+s20+$0x0] =	vst.idx.add.s32.msk $0xffff, v3  }
0x50: {  	v8 =	vld [tilespmem:s3+$0x30];
	_ =	sdelay $0x4  }
0x51: {  	v8 =	vshra.s32 v8, $0x10  }
0x52: {  	v8 =	vor.u32 v2, v8;
	_ =	sdelay $0x4  }
0x53: {  	[tilespmem:v8+s20+$0x0] =	vst.idx.add.s32.msk $0xffff, v3  }
0x54: {  	v8 =	vld [tilespmem:s3+$0x40];
	_ =	sdelay $0x4  }
0x55: {  	v8 =	vshra.s32 v8, $0x10  }
0x56: {  	v8 =	vor.u32 v2, v8;
	_ =	sdelay $0x4  }
0x57: {  	[tilespmem:v8+s20+$0x0] =	vst.idx.add.s32.msk $0xffff, v3  }
0x58: {  	v8 =	vld [tilespmem:s3+$0x50];
	_ =	sdelay $0x4  }
0x59: {  	v8 =	vshra.s32 v8, $0x10  }
0x5a: {  	v8 =	vor.u32 v2, v8;
	_ =	sdelay $0x4  }
0x5b: {  	[tilespmem:v8+s20+$0x0] =	vst.idx.add.s32.msk $0xffff, v3  }
0x5c: {  	v8 =	vld [tilespmem:s3+$0x60];
	_ =	sdelay $0x4  }
0x5d: {  	v8 =	vshra.s32 v8, $0x10  }
0x5e: {  	v8 =	vor.u32 v2, v8;
	_ =	sdelay $0x4  }
0x5f: {  	[tilespmem:v8+s20+$0x0] =	vst.idx.add.s32.msk $0xffff, v3  }
0x60: {  	v8 =	vld [tilespmem:s3+$0x70];
	_ =	sdelay $0x4  }
0x61: {  	v8 =	vshra.s32 v8, $0x10  }
0x62: {  	p0 =	sne.s32 s0, $0x1FE00;
	v8 =	vor.u32 v2, v8  }
.Ltmp0:
0x63: {  	_ = 	snop;
	(pc) =	sbr.rel @p0 .LBB2_3-.Ltmp0, $2  }
0x64: {  	_ =	sdelay $0x2  }
0x65: {  	s0 =	sadd.s32 $0x200, s0;
	[tilespmem:v8+s20+$0x0] =	vst.idx.add.s32.msk $0xffff, v3  }
0x66: {  	v8 =	vld [tilespmem:$0xA000]  }
0x67: {  	v9 =	vld [tilespmem:$0xA020]  }
0x68: {  	v10 =	vld [tilespmem:$0xA040]  }
0x69: {  	v11 =	vld [tilespmem:$0xA060]  }
0x6a: {  	v12 =	vld [tilespmem:$0xA080]  }
0x6b: {  	v13 =	vld [tilespmem:$0xA0A0]  }
0x6c: {  	v14 =	vld [tilespmem:$0xA0C0]  }
0x6d: {  	v15 =	vld [tilespmem:$0xA0E0]  }
0x6e: {  	v16 =	vld [tilespmem:$0xA100]  }
0x6f: {  	v17 =	vld [tilespmem:$0xA120]  }
0x70: {  	v18 =	vld [tilespmem:$0xA140]  }
0x71: {  	v19 =	vld [tilespmem:$0xA160]  }
0x72: {  	v20 =	vld [tilespmem:$0xA180]  }
0x73: {  	v21 =	vld [tilespmem:$0xA1A0]  }
0x74: {  	v22 =	vld [tilespmem:$0xA1C0]  }
0x75: {  	v39 =	vld [tilespmem:$0xA1E0];
	v8 =	vadd.s32 v8, v9  }
0x76: {  	v40 =	vld [tilespmem:$0xA010];
	v8 =	vadd.s32 v10, v8  }
0x77: {  	v41 =	vld [tilespmem:$0xA030];
	v8 =	vadd.s32 v11, v8  }
0x78: {  	v42 =	vld [tilespmem:$0xA050];
	v8 =	vadd.s32 v12, v8  }
0x79: {  	v43 =	vld [tilespmem:$0xA070];
	v8 =	vadd.s32 v13, v8  }
0x7a: {  	v44 =	vld [tilespmem:$0xA090];
	v8 =	vadd.s32 v14, v8  }
0x7b: {  	v45 =	vld [tilespmem:$0xA0B0];
	v8 =	vadd.s32 v15, v8  }
0x7c: {  	v46 =	vld [tilespmem:$0xA0D0];
	v10 =	vadd.s32 v40, v41;
	v8 =	vadd.s32 v16, v8  }
0x7d: {  	v47 =	vld [tilespmem:$0xA0F0];
	v10 =	vadd.s32 v42, v10;
	v8 =	vadd.s32 v17, v8  }
0x7e: {  	v48 =	vld [tilespmem:$0xA110];
	v10 =	vadd.s32 v43, v10;
	v8 =	vadd.s32 v18, v8  }
0x7f: {  	v49 =	vld [tilespmem:$0xA130];
	v10 =	vadd.s32 v44, v10;
	v8 =	vadd.s32 v19, v8  }
0x80: {  	v50 =	vld [tilespmem:$0xA150];
	v10 =	vadd.s32 v45, v10;
	v8 =	vadd.s32 v20, v8  }
0x81: {  	v51 =	vld [tilespmem:$0xA170];
	v10 =	vadd.s32 v46, v10;
	v8 =	vadd.s32 v21, v8  }
0x82: {  	v52 =	vld [tilespmem:$0xA190];
	v10 =	vadd.s32 v47, v10;
	v8 =	vadd.s32 v22, v8  }
0x83: {  	v54 =	vld [tilespmem:$0xA1B0];
	v53 =	vadd.s32 v48, v10;
	v8 =	vadd.s32 v39, v8  }
0x84: {  	v55 =	vld [tilespmem:$0xA1D0];
	v9 =	vadd.s32 v49, v53;
	v56 =	vadd.s32 $0xF, v8  }
0x85: {  	v57 =	vld [tilespmem:$0xA1F0];
	v9 =	vadd.s32 v50, v9;
	v14 =	vand.u32 $0xFFFFFFF0, v56  }
0x86: {  	v9 =	vadd.s32 v51, v9;
	(xrf0) =	vadd.scan.msk.s32 $0xffff, v14  }
0x87: {  	v9 =	vadd.s32 v52, v9  }
0x88: {  	v9 =	vadd.s32 v54, v9  }
0x89: {  	v9 =	vadd.s32 v55, v9  }
0x8a: {  	v9 =	vadd.s32 v57, v9  }
0x8b: {  	v58 =	vadd.s32 $0xF, v9  }
0x8c: {  	v10 =	vand.u32 $0xFFFFFFF0, v58;
	v59, _, _ =	vpop (xrf0)  }
0x8d: {  	(xrf0) =	vadd.scan.msk.s32 $0xffff, v10;
	v60 =	vxor.u32 $0x80000000, v59  }
0x8e: {  	(xrf0) =	vmax.scan.msk.u32 $0xffff, v60;
	_ =	sdelay $0x4  }
0x8f: {  	v61, _, _ =	vpop (xrf0)  }
0x90: {  	v62, _, _ =	vpop (xrf0)  }
0x91: {  	(v2sf) =	vpush v62, $0xF;
	_ =	sdelay $0xd  }
0x92: {  	[tilespmem:$0xA200] =	vst v8  }
0x93: {  	[tilespmem:$0xA210] =	vst v9;
	v8 =	vsub.s32 v59, v14;
	s0 =	spop (v2sf)  }
0x94: {  	[tilespmem:$0xA280] =	vst v8;
	v10 =	vsub.s32 v61, v10;
	s0 =	sxor.u32 $0x80000000, s0  }
0x95: {  	s23 =	sshll.u32 s30, $0x7;
	[tilespmem:$0xA300] =	vst v8;
	v63 =	vadd.s32 s0, v10  }
0x96: {  	s3 =	sor.u32 s14, s23;
	[tilespmem:$0xA290] =	vst v63  }
0x97: {  	s16 =	simm.s32 $0xA200;
	s15 =	sadd.s32 s9, s3;
	s0 =	simm.s32 $0x0;
	[tilespmem:$0xA310] =	vst v63  }
0x98: {  	[hbm4b:s15+s0] =	stream.linear.scatter [tilespmem:s16], [sflag:$0x2], $0x20, $0x38;
	[tilespmem:$0x1A780] =	vst v63  }
0x99: {  	_ =	swait.ge [sflag:s22], $0x20  }
0x9a: {  	[sflag:s22] =	ssyncset.done $0x0  }
0x9b: {  	s29 =	simm.s32 $0xA280;
	s3 =	sadd.s32 s7, s3;
	[sflag:s22] =	ssyncadd.s32 $0xFFFFFFE0  }
0x9c: {  	[hbm4b:s3+s0] =	stream.linear.scatter [tilespmem:s29], [sflag:$0x2], $0x20, $0x38;
	[tilespmem:$0x1A780] =	vst v63  }
0x9d: {  	_ =	swait.ge [sflag:s22], $0x20  }
0x9e: {  	[sflag:s22] =	ssyncset.done $0x0  }
0x9f: {  	s3 =	simm.s32 $0x0;
	[sflag:s22] =	ssyncadd.s32 $0xFFFFFFE0  }
.LBB2_5:
0xa0: {  	s15 =	sshll.u32 s3, $0xD  }
0xa1: {  	s16 =	sadd.s32 s31, s15  }
0xa2: {  	s16 =	sshrl.u32 s16, $0x3  }
0xa3: {  	s16 =	sadd.s32 s1, s16  }
0xa4: {  	[tilespmem:s24], [sflag:$0x2] =	stream.linear.gather [hbm4b:s16+s0], $0x2000, $0x38;
	[tilespmem:$0x1A780] =	vst v63  }
0xa5: {  	s23 =	sand.u32 $0x1F80, s0;
	s15 =	sand.u32 $0x3FFFE000, s15;
	_ =	swait.ge [sflag:s22], $0x2000  }
0xa6: {  	s17 =	sand.u32 $0x60, s0;
	s18 =	sadd.s32 s23, s15;
	[sflag:s22] =	ssyncset.done $0x0  }
0xa7: {  	s21 =	sadd.s32 s17, s18;
	[sflag:s22] =	ssyncadd.s32 $0xFFFFE000  }
0xa8: {  	v8 =	vld [tilespmem:s21+$0x0];
	_ =	sdelay $0x4  }
0xa9: {  	v9 =	vshra.s32 v8, $0xC  }
0xaa: {  	v9 =	vand.u32 $0xFFFFFFF0, v9  }
0xab: {  	v9 =	vxor.u32 v4, v9  }
0xac: {  	(xrf1) =	vsort.ascd.msk.u32 $0xffff, v9, v1;
	_ =	sdelay $0xd  }
0xad: {  	v9, v10, _ =	vpop (xrf1)  }
0xae: {  	v9 =	vshra.s32 v9, $0x4  }
0xaf: {  	v9 =	vxor.u32 $0xF8000000, v9  }
0xb0: {  	v11 =	vperm.xlane v9, v5;
	_ =	sdelay $0x1  }
0xb1: {  	vm1 =	veq.s32 v9, v11  }
0xb2: {  	v11 =	vsel vm1, $0x80000000, v4  }
0xb3: {  	(xrf0) =	vmax.scan.msk.u32 $0xffff, v11;
	_ =	sdelay $0x2  }
0xb4: {  	v11 =	vld.idx.msk [tilespmem:v9+s25+$0x0], $0xffff  }
0xb5: {  	v12 =	vperm.xlane v9, v6;
	_ =	sdelay $0x1  }
0xb6: {  	s16 =	sor.u32 $0x8000, s23;
	vm1 =	vne.s32 v9, v12;
	v59, _, _ =	vpop (xrf0)  }
0xb7: {  	s23 =	sor.u32 s17, s16;
	vm1 =	vmor vm1, vm0;
	v12 =	vxor.u32 $0x80000000, v59  }
0xb8: {  	v13 =	vld [tilespmem:s23+$0x0];
	v11 =	vsub.s32 v11, v12  }
0xb9: {  	v14 =	vshrl.u32 v10, $0x1B;
	v11 =	vadd.s32 v1, v11  }
0xba: {  	v14 =	vand.u32 $0x10, v14  }
0xbb: {  	v10 =	vadd.s32 v10, v14  }
0xbc: {  	v8 =	vperm.xlane v8, v10;
	v12 =	vsub.s32 v7, v12  }
0xbd: {  	v10 =	vperm.xlane v13, v10;
	[tilespmem:v9+s25+$0x0] =	vst.idx.add.s32.msk vm1, v12  }
0xbe: {  	s17 =	sor.u32 $0x10, s17;
	[tilespmem:v11+s26+$0x0] =	vst.idx.msk $0xffff, v8  }
0xbf: {  	s18 =	sadd.s32 s17, s18;
	[tilespmem:v11+s28+$0x0] =	vst.idx.msk $0xffff, v10  }
0xc0: {  	v9 =	vld [tilespmem:s18+$0x0];
	_ =	sdelay $0x4  }
0xc1: {  	v8 =	vshra.s32 v9, $0xC  }
0xc2: {  	v8 =	vand.u32 $0xFFFFFFF0, v8  }
0xc3: {  	v8 =	vxor.u32 v4, v8  }
0xc4: {  	(xrf1) =	vsort.ascd.msk.u32 $0xffff, v8, v1;
	_ =	sdelay $0xd  }
0xc5: {  	v8, v10, _ =	vpop (xrf1)  }
0xc6: {  	v8 =	vshra.s32 v8, $0x4  }
0xc7: {  	v11 =	vxor.u32 $0xF8000000, v8  }
0xc8: {  	v8 =	vperm.xlane v11, v5;
	_ =	sdelay $0x1  }
0xc9: {  	vm1 =	veq.s32 v11, v8  }
0xca: {  	v8 =	vsel vm1, $0x80000000, v4  }
0xcb: {  	(xrf0) =	vmax.scan.msk.u32 $0xffff, v8;
	_ =	sdelay $0x2  }
0xcc: {  	v8 =	vld.idx.msk [tilespmem:v11+s25+$0x0], $0xffff  }
0xcd: {  	v60 =	vperm.xlane v11, v6;
	_ =	sdelay $0x1  }
0xce: {  	vm1 =	vne.s32 v11, v60;
	v61, _, _ =	vpop (xrf0)  }
0xcf: {  	vm1 =	vmor vm1, vm0;
	v12 =	vxor.u32 $0x80000000, v61  }
0xd0: {  	s16 =	sor.u32 s17, s16;
	v8 =	vsub.s32 v8, v12  }
0xd1: {  	v63 =	vld [tilespmem:s16+$0x0];
	v62 =	vshrl.u32 v10, $0x1B;
	v8 =	vadd.s32 v1, v8  }
0xd2: {  	v13 =	vand.u32 $0x10, v62  }
0xd3: {  	v10 =	vadd.s32 v10, v13  }
0xd4: {  	s23 =	simm.s32 $0x20;
	v13 =	vperm.xlane v9, v10;
	v9 =	vsub.s32 v7, v12  }
0xd5: {  	s29 =	sand.u32 $0x1F80, s23;
	s21 =	sand.u32 $0x60, s23;
	[tilespmem:v11+s25+$0x0] =	vst.idx.add.s32.msk vm1, v9  }
0xd6: {  	s16 =	simm.s32 $0x40;
	s18 =	sadd.s32 s29, s15;
	s29 =	sor.u32 $0x8000, s29;
	v9 =	vperm.xlane v63, v10;
	[tilespmem:v8+s26+$0x0] =	vst.idx.msk $0xffff, v13  }
.LBB2_6:
0xd7: {  	p0 =	sne.s32 s16, $0x1FE0  }
0xd8: {  	s23 =	sadd.s32 s21, s18;
	[tilespmem:v8+s28+$0x0] =	vst.idx.msk $0xffff, v9;
	s17 =	smov.u32 s16;
	s16 =	sadd.s32 $0x20, s16  }
0xd9: {  	v8 =	vld [tilespmem:s23+$0x0];
	_ =	sdelay $0x4  }
0xda: {  	v9 =	vshra.s32 v8, $0xC  }
0xdb: {  	v9 =	vand.u32 $0xFFFFFFF0, v9  }
0xdc: {  	v9 =	vxor.u32 v4, v9  }
0xdd: {  	(xrf1) =	vsort.ascd.msk.u32 $0xffff, v9, v1;
	_ =	sdelay $0xd  }
0xde: {  	v9, v10, _ =	vpop (xrf1)  }
0xdf: {  	v9 =	vshra.s32 v9, $0x4;
	v11 =	vshrl.u32 v10, $0x1B  }
0xe0: {  	v9 =	vxor.u32 $0xF8000000, v9;
	v11 =	vand.u32 $0x10, v11  }
0xe1: {  	v10 =	vadd.s32 v10, v11;
	v11 =	vperm.xlane v9, v5;
	v12 =	vperm.xlane v9, v6  }
0xe2: {  	v8 =	vperm.xlane v8, v10  }
0xe3: {  	vm1 =	veq.s32 v9, v11;
	vm2 =	vne.s32 v9, v12  }
0xe4: {  	v11 =	vsel vm1, $0x80000000, v4  }
0xe5: {  	(xrf0) =	vmax.scan.msk.u32 $0xffff, v11;
	_ =	sdelay $0x1  }
0xe6: {  	v11 =	vld.idx.msk [tilespmem:v9+s25+$0x0], $0xffff;
	_ =	sdelay $0x3  }
0xe7: {  	v12, _, _ =	vpop (xrf0)  }
0xe8: {  	s23 =	sor.u32 s21, s29;
	vm1 =	vmor vm2, vm0;
	v12 =	vxor.u32 $0x80000000, v12  }
0xe9: {  	v13 =	vld [tilespmem:s23+$0x0];
	v14 =	vsub.s32 v7, v12;
	v11 =	vsub.s32 v11, v12  }
0xea: {  	v11 =	vadd.s32 v1, v11;
	_ =	sdelay $0x3  }
0xeb: {  	v10 =	vperm.xlane v13, v10;
	[tilespmem:v9+s25+$0x0] =	vst.idx.add.s32.msk vm1, v14  }
0xec: {  	s21 =	sor.u32 $0x10, s21;
	[tilespmem:v11+s26+$0x0] =	vst.idx.msk $0xffff, v8  }
0xed: {  	s18 =	sadd.s32 s21, s18;
	[tilespmem:v11+s28+$0x0] =	vst.idx.msk $0xffff, v10  }
0xee: {  	v8 =	vld [tilespmem:s18+$0x0];
	_ =	sdelay $0x4  }
0xef: {  	v9 =	vshra.s32 v8, $0xC  }
0xf0: {  	v9 =	vand.u32 $0xFFFFFFF0, v9  }
0xf1: {  	v9 =	vxor.u32 v4, v9  }
0xf2: {  	(xrf1) =	vsort.ascd.msk.u32 $0xffff, v9, v1;
	_ =	sdelay $0xd  }
0xf3: {  	v9, v10, _ =	vpop (xrf1)  }
0xf4: {  	v9 =	vshra.s32 v9, $0x4;
	v11 =	vshrl.u32 v10, $0x1B  }
0xf5: {  	v9 =	vxor.u32 $0xF8000000, v9;
	v11 =	vand.u32 $0x10, v11  }
0xf6: {  	v10 =	vadd.s32 v10, v11;
	v11 =	vperm.xlane v9, v5;
	v12 =	vperm.xlane v9, v6  }
0xf7: {  	v13 =	vperm.xlane v8, v10  }
0xf8: {  	vm1 =	veq.s32 v9, v11;
	vm2 =	vne.s32 v9, v12  }
0xf9: {  	v8 =	vsel vm1, $0x80000000, v4  }
0xfa: {  	(xrf0) =	vmax.scan.msk.u32 $0xffff, v8;
	_ =	sdelay $0x1  }
0xfb: {  	v8 =	vld.idx.msk [tilespmem:v9+s25+$0x0], $0xffff  }
0xfc: {  	vm1 =	vmor vm2, vm0;
	_ =	sdelay $0x2  }
0xfd: {  	v11, _, _ =	vpop (xrf0)  }
0xfe: {  	s18 =	sor.u32 s21, s29;
	v11 =	vxor.u32 $0x80000000, v11  }
0xff: {  	v12 =	vld [tilespmem:s18+$0x0];
	v14 =	vsub.s32 v7, v11;
	v8 =	vsub.s32 v8, v11  }
0x100: {  	[tilespmem:v9+s25+$0x0] =	vst.idx.add.s32.msk vm1, v14;
	v8 =	vadd.s32 v1, v8  }
.Ltmp1:
0x101: {  	(pc) =	sbr.rel @p0 .LBB2_6-.Ltmp1, $3  }
0x102: {  	_ =	sdelay $0x1  }
0x103: {  	s23 =	sand.u32 $0x1F80, s17;
	v9 =	vperm.xlane v12, v10  }
0x104: {  	s21 =	sand.u32 $0x60, s17;
	s29 =	sor.u32 $0x8000, s23;
	s18 =	sadd.s32 s23, s15;
	[tilespmem:v8+s26+$0x0] =	vst.idx.msk $0xffff, v13  }
0x105: {  	_ =	sdelay $0x3  }
0x106: {  	s15 =	sadd.s32 s21, s18;
	[tilespmem:v8+s28+$0x0] =	vst.idx.msk $0xffff, v9  }
0x107: {  	v8 =	vld [tilespmem:s15+$0x0];
	_ =	sdelay $0x4  }
0x108: {  	v52 =	vshra.s32 v8, $0xC  }
0x109: {  	v9 =	vand.u32 $0xFFFFFFF0, v52  }
0x10a: {  	v9 =	vxor.u32 v4, v9  }
0x10b: {  	(xrf1) =	vsort.ascd.msk.u32 $0xffff, v9, v1;
	_ =	sdelay $0xd  }
0x10c: {  	v9, v10, _ =	vpop (xrf1)  }
0x10d: {  	v9 =	vshra.s32 v9, $0x4  }
0x10e: {  	v9 =	vxor.u32 $0xF8000000, v9  }
0x10f: {  	v11 =	vperm.xlane v9, v5;
	_ =	sdelay $0x1  }
0x110: {  	vm1 =	veq.s32 v9, v11  }
0x111: {  	v11 =	vsel vm1, $0x80000000, v4  }
0x112: {  	(xrf0) =	vmax.scan.msk.u32 $0xffff, v11;
	_ =	sdelay $0x2  }
0x113: {  	v53 =	vld.idx.msk [tilespmem:v9+s25+$0x0], $0xffff  }
0x114: {  	v12 =	vperm.xlane v9, v6;
	_ =	sdelay $0x1  }
0x115: {  	vm1 =	vne.s32 v9, v12;
	v54, _, _ =	vpop (xrf0)  }
0x116: {  	s17 =	sor.u32 s21, s29;
	vm1 =	vmor vm1, vm0;
	v12 =	vxor.u32 $0x80000000, v54  }
0x117: {  	v13 =	vld [tilespmem:s17+$0x0];
	v11 =	vsub.s32 v53, v12  }
0x118: {  	v14 =	vshrl.u32 v10, $0x1B;
	v11 =	vadd.s32 v1, v11  }
0x119: {  	v14 =	vand.u32 $0x10, v14  }
0x11a: {  	v10 =	vadd.s32 v10, v14  }
0x11b: {  	v8 =	vperm.xlane v8, v10;
	v12 =	vsub.s32 v7, v12  }
0x11c: {  	v10 =	vperm.xlane v13, v10;
	[tilespmem:v9+s25+$0x0] =	vst.idx.add.s32.msk vm1, v12  }
0x11d: {  	s23 =	sor.u32 $0x10, s21;
	[tilespmem:v11+s26+$0x0] =	vst.idx.msk $0xffff, v8  }
0x11e: {  	s16 =	sadd.s32 s23, s18;
	[tilespmem:v11+s28+$0x0] =	vst.idx.msk $0xffff, v10  }
0x11f: {  	v8 =	vld [tilespmem:s16+$0x0];
	_ =	sdelay $0x4  }
0x120: {  	v55 =	vshra.s32 v8, $0xC  }
0x121: {  	v9 =	vand.u32 $0xFFFFFFF0, v55  }
0x122: {  	v9 =	vxor.u32 v4, v9  }
0x123: {  	(xrf1) =	vsort.ascd.msk.u32 $0xffff, v9, v1;
	_ =	sdelay $0xd  }
0x124: {  	v9, v56, _ =	vpop (xrf1)  }
0x125: {  	v9 =	vshra.s32 v9, $0x4  }
0x126: {  	v9 =	vxor.u32 $0xF8000000, v9  }
0x127: {  	v57 =	vperm.xlane v9, v5;
	_ =	sdelay $0x1  }
0x128: {  	vm1 =	veq.s32 v9, v57  }
0x129: {  	v11 =	vsel vm1, $0x80000000, v4  }
0x12a: {  	(xrf0) =	vmax.scan.msk.u32 $0xffff, v11;
	_ =	sdelay $0x2  }
0x12b: {  	v58 =	vld.idx.msk [tilespmem:v9+s25+$0x0], $0xffff  }
0x12c: {  	v59 =	vperm.xlane v9, v6;
	_ =	sdelay $0x1  }
0x12d: {  	vm1 =	vne.s32 v9, v59;
	v60, _, _ =	vpop (xrf0)  }
0x12e: {  	s15 =	sor.u32 s23, s29;
	vm1 =	vmor vm1, vm0;
	v12 =	vxor.u32 $0x80000000, v60  }
0x12f: {  	v61 =	vld [tilespmem:s15+$0x0];
	v11 =	vsub.s32 v58, v12  }
0x130: {  	s3 =	sadd.s32 $0x1, s3;
	v62 =	vshrl.u32 v56, $0x1B;
	v11 =	vadd.s32 v1, v11  }
0x131: {  	p0 =	sne.s32 s3, $0x4;
	v14 =	vand.u32 $0x10, v62  }
.Ltmp2:
0x132: {  	v10 =	vadd.s32 v56, v14;
	(pc) =	sbr.rel @p0 .LBB2_5-.Ltmp2, $4  }
0x133: {  	v8 =	vperm.xlane v8, v10;
	v12 =	vsub.s32 v7, v12  }
0x134: {  	v63 =	vperm.xlane v61, v10;
	[tilespmem:v9+s25+$0x0] =	vst.idx.add.s32.msk vm1, v12  }
0x135: {  	[tilespmem:v11+s26+$0x0] =	vst.idx.msk $0xffff, v8  }
0x136: {  	[tilespmem:v11+s28+$0x0] =	vst.idx.msk $0xffff, v63  }
0x137: {  	s0 =	sshll.u32 s30, $0x5  }
0x138: {  	s0 =	sor.u32 s8, s0  }
0x139: {  	s0 =	smul.u32 $0x10C0, s0;
	_ =	sdelay $0x1  }
0x13a: {  	s3 =	sadd.s32 s5, s0  }
0x13b: {  	[hbm4b:s3+s2] =	stream.linear.scatter [tilespmem:s26], [sflag:$0x1], $0x8200, $0x38;
	[tilespmem:$0x1A780] =	vst v63  }
0x13c: {  	s30 =	sadd.s32 $0x1, s30;
	s0 =	sadd.s32 s6, s0  }
0x13d: {  	[hbm4b:s0+s2] =	stream.linear.scatter [tilespmem:s28], [sflag:$0x1], $0x8200, $0x38;
	[tilespmem:$0x1A780] =	vst v63  }
0x13e: {  	p0 =	sne.s32 s30, $0x5;
	_ =	swait.ge [sflag:s19], $0x8200  }
.Ltmp3:
0x13f: {  	[sflag:s19] =	ssyncset.done $0x0;
	(pc) =	sbr.rel @p0 .LBB2_2-.Ltmp3, $4  }
0x140: {  	[sflag:s19] =	ssyncadd.s32 $0xFFFF7E00  }
0x141: {  	_ =	swait.ge [sflag:s19], $0x8200  }
0x142: {  	[sflag:s19] =	ssyncset.done $0x0  }
0x143: {  	[sflag:s19] =	ssyncadd.s32 $0xFFFF7E00  }
0x144: {  	s3 =	rddreg [dreg:$0x4]  }
0x145: {  	s0 =	rddreg [dreg:$0x3];
	s3 =	sadd.s32 $0x1, s3  }
0x146: {  	p0 =	sne.s32 s3, s0  }
.Ltmp4:
0x147: {  	_ = 	snop;
	(pc) =	sbr.rel @p0 .LBB2_1-.Ltmp4, $1  }
0x148: {  	_ =	sdelay $0x3  }
0x149: {  	_ =	sfence.sel $0x180000  }
0x14a: {  	[bflag:$0x0] =	sbarrier.arrive $0xFFFF  }
0x14b: {  	_ =	strace $0x90000047  }
0x14c: {  	s0 =	stileid.u32;
	[bflag:$0x2] =	sbarrier.arrive $0xFFFF  }
0x14d: {  	p0 =	sne.s32 s0, $0x0;
	s0 =	rddreg [dreg:$0x2]  }
0x14e: {  	s0 =	sadd.s32 @!p0 $0x100000, s0  }
0x14f: {  	[sflag:s0] =	ssyncadd.tile.s32 @!p0 $0x1;
	_ =	shalt  }
.Lfunc_end2:
_tile_overlayer_lowered:
.L_overlay_start_2:
0x150: {  	(tag) =	ssettag $0x2  }
0x151: {  	s0 =	rddreg [dreg:$0x0];
	s2 =	stileid.u32  }
0x152: {  	s1 =	rddreg [dreg:$0x1];
	p0 =	sne.s32 s2, $0x0  }
0x153: {  	s3 =	rddreg [dreg:$0x2];
	[bflag:$0x3] =	sbarrier.arrive $0xFFFF;
	s2 =	simm.s32 @!p0 $0x1C02  }
0x154: {  	[timem:s3], [sflag:s2] =	dma.local @!p0 [hbm:s0], s1  }
0x155: {  	s0 =	simm.s32 @!p0 $0x2  }
0x156: {  	_ =	swait.ge @!p0 [sflag:s0], s1  }
0x157: {  	s1 =	ssub.s32 @!p0 $0x0, s1;
	[sflag:s0] =	ssyncset.done @!p0 $0x0  }
0x158: {  	[sflag:s0] =	ssyncadd.s32 @!p0 s1  }
0x159: {  	[bflag:$0x3] =	sbarrier.arrive $0xFFFF  }
0x15a: {  	_ =	shalt  }

// kernel: kernel.9.cloned.1.call-start
scs
__scs_entry_jumppad:
0x0: {  	(pc) =	sbr.rel $0x88, $3  }
0x1: {  	(tag) =	ssettag $0x0;
	lr =	simm.s32 $0x1  }
0x2: {  	[smem:$0x3F9E] =	sst lr;
	_ =	strace $0xD0000000  }
0x3: {  	_ = 	snop  }
0x4: {  	_ = 	snop  }
0x5: {  	_ = 	snop  }
0x6: {  	_ = 	snop  }
0x7: {  	_ = 	snop  }
__scs_overlays_trampoline_lowered:
0x8: {  	[smem:$0x3FAD] =	sst s0  }
0x9: {  	[smem:$0x3FAE] =	sst s1  }
0xa: {  	[smem:$0x3FAF] =	sst s2  }
0xb: {  	[smem:$0x3FB0] =	sst s3  }
0xc: {  	[smem:$0x3FB1] =	sst s4  }
0xd: {  	[smem:$0x3FB2] =	sst s5  }
0xe: {  	[smem:$0x3FB3] =	sst s6  }
0xf: {  	[smem:$0x3FB4] =	sst s7  }
0x10: {  	[smem:$0x3FB5] =	sst s8  }
0x11: {  	[smem:$0x3FB6] =	sst s9;
	s0 =	simm.s32 @!p0 $0x0  }
0x12: {  	s1 =	sld [smem:$0x3F9C];
	s0 =	simm.s32 @p0 $0x1  }
0x13: {  	[smem:$0x3FB7] =	sst s0;
	s0 =	simm.s32 @!p1 $0x0  }
0x14: {  	s2 =	sld [smem:$0x3F9B];
	s0 =	simm.s32 @p1 $0x1  }
0x15: {  	[smem:$0x3FB8] =	sst s0;
	s0 =	simm.s32 @!p2 $0x0  }
0x16: {  	s3 =	sld [smem:$0x3FDB];
	s0 =	simm.s32 @p2 $0x1  }
0x17: {  	s4 =	simm.s32 $0x1BF5;
	[smem:$0x3FBA] =	sst s0  }
0x18: {  	s0 =	sld [smem:$0x3F9D];
	_ =	swait.ge [sflag:s4], $0x0  }
0x19: {  	s7 =	sld [smem:$0x3F9E]  }
0x1a: {  	s8 =	sadd.s32 $0xFFFFE003, lr  }
0x1b: {  	s9 =	sadd.s32 $0xFFFFFEF7, lr;
	s5 =	simm.s32 $0xFFFFFFFF;
	p2 =	slt.u32 s8, $0xFFFFF086  }
0x1c: {  	p1 =	slt.u32 s9, $0xF7A;
	s5 =	simm.s32 @!p2 $0x0  }
0x1d: {  	s5 =	simm.s32 @p1 $0x1;
	p0 =	seq.s32 s7, s2  }
0x1e: {  	s7 =	smul.u32 @!p0 $0xF7A, s2;
	p2 =	seq.s32 @!p0 s5, $0x0  }
0x1f: {  	s9 =	smul.u32 $0xF7A, s1;
	s8 =	simm.s32 @!p0 $0x1BF5;
	p2 =	por !p2, p0  }
0x20: {  	[sflag:s8] =	ssyncset.s32 @!p0 $0xFFFFF086;
	s6 =	sadd.s32 @!p0 s3, s7;
	s7 =	simm.s32 @!p0 $0x108  }
0x21: {  	s3 =	sadd.s32 s3, s9;
	s6 =	sadd.s32 @!p0 $0x88, s6;
	s7 =	simm.s32 @p2 $0x1082  }
0x22: {  	[simem:s7], [sflag:s8] =	dma.local @!p0 [hbm:s6], $0xF7A  }
0x23: {  	s9 =	sor.u32 $0xD0000000, s2;
	s6 =	simm.s32 $0x108;
	_ =	swait.ge @!p0 [sflag:s8], $0x0  }
0x24: {  	s3 =	sadd.s32 $0x88, s3;
	s6 =	simm.s32 @!p1 $0x1082;
	[sflag:s4] =	ssyncset.s32 $0xFFFFF086  }
0x25: {  	[simem:s6], [sflag:s4] =	dma.local [hbm:s3], $0xF7A  }
0x26: {  	[smem:$0x3F9E] =	sst s1;
	(tag) =	ssettag s2;
	_ =	strace s9  }
0x27: {  	s1 =	sld [smem:$0x3FAE]  }
0x28: {  	s2 =	sld [smem:$0x3FAF]  }
0x29: {  	s4 =	sld [smem:$0x3FB1]  }
0x2a: {  	p0 =	seq.s32 s5, $0x0;
	s5 =	sld [smem:$0x3FB2]  }
0x2b: {  	s6 =	sld [smem:$0x3FB3]  }
0x2c: {  	s7 =	sld [smem:$0x3FB4]  }
0x2d: {  	s3 =	simm.s32 $0x108;
	s8 =	sld [smem:$0x3FB5]  }
0x2e: {  	s3 =	simm.s32 @!p0 $0x1082;
	s9 =	sld [smem:$0x3FB6]  }
0x2f: {  	lr =	sadd.s32 s0, s3;
	s0 =	sld [smem:$0x3FAD]  }
0x30: {  	s3 =	sld [smem:$0x3FB0]  }
0x31: {  	[smem:$0x3FB9] =	sst s10  }
0x32: {  	s10 =	sld [smem:$0x3FB7];
	_ =	sdelay $0x3  }
0x33: {  	p0 =	seq.s32 s10, $0x1;
	s10 =	sld [smem:$0x3FB9];
	_ =	sdelay $0x3  }
0x34: {  	[smem:$0x3FB9] =	sst s10  }
0x35: {  	s10 =	sld [smem:$0x3FB8];
	_ =	sdelay $0x3  }
0x36: {  	p1 =	seq.s32 s10, $0x1;
	s10 =	sld [smem:$0x3FB9];
	_ =	sdelay $0x3  }
0x37: {  	[smem:$0x3FB9] =	sst s10  }
0x38: {  	s10 =	sld [smem:$0x3FBA]  }
0x39: {  	_ = 	snop;
	(pc) =	sbr.ind lr, $3  }
0x3a: {  	_ = 	snop  }
0x3b: {  	_ = 	snop  }
0x3c: {  	p2 =	seq.s32 s10, $0x1;
	s10 =	sld [smem:$0x3FB9]  }
0x3d: {  	_ =	shalt  }
0x3e: {  	_ =	shalt  }
0x3f: {  	_ =	shalt  }
0x40: {  	_ =	shalt  }
0x41: {  	_ =	shalt  }
0x42: {  	_ =	shalt  }
0x43: {  	_ =	shalt  }
0x44: {  	_ =	shalt  }
0x45: {  	_ =	shalt  }
0x46: {  	_ =	shalt  }
0x47: {  	_ =	shalt  }
0x48: {  	_ =	shalt  }
0x49: {  	_ =	shalt  }
0x4a: {  	_ =	shalt  }
0x4b: {  	_ =	shalt  }
0x4c: {  	_ =	shalt  }
0x4d: {  	_ =	shalt  }
0x4e: {  	_ =	shalt  }
0x4f: {  	_ =	shalt  }
0x50: {  	_ =	shalt  }
0x51: {  	_ =	shalt  }
0x52: {  	_ =	shalt  }
0x53: {  	_ =	shalt  }
0x54: {  	_ =	shalt  }
0x55: {  	_ =	shalt  }
0x56: {  	_ =	shalt  }
0x57: {  	_ =	shalt  }
0x58: {  	_ =	shalt  }
0x59: {  	_ =	shalt  }
0x5a: {  	_ =	shalt  }
0x5b: {  	_ =	shalt  }
0x5c: {  	_ =	shalt  }
0x5d: {  	_ =	shalt  }
0x5e: {  	_ =	shalt  }
0x5f: {  	_ =	shalt  }
0x60: {  	_ =	shalt  }
0x61: {  	_ =	shalt  }
0x62: {  	_ =	shalt  }
0x63: {  	_ =	shalt  }
0x64: {  	_ =	shalt  }
0x65: {  	_ =	shalt  }
0x66: {  	_ =	shalt  }
0x67: {  	_ =	shalt  }
0x68: {  	_ =	shalt  }
0x69: {  	_ =	shalt  }
0x6a: {  	_ =	shalt  }
0x6b: {  	_ =	shalt  }
0x6c: {  	_ =	shalt  }
0x6d: {  	_ =	shalt  }
0x6e: {  	_ =	shalt  }
0x6f: {  	_ =	shalt  }
0x70: {  	_ =	shalt  }
0x71: {  	_ =	shalt  }
0x72: {  	_ =	shalt  }
0x73: {  	_ =	shalt  }
0x74: {  	_ =	shalt  }
0x75: {  	_ =	shalt  }
0x76: {  	_ =	shalt  }
0x77: {  	_ =	shalt  }
0x78: {  	_ =	shalt  }
0x79: {  	_ =	shalt  }
0x7a: {  	_ =	shalt  }
0x7b: {  	_ =	shalt  }
0x7c: {  	_ =	shalt  }
0x7d: {  	_ =	shalt  }
0x7e: {  	_ =	shalt  }
0x7f: {  	_ =	shalt  }
0x80: {  	_ =	shalt  }
0x81: {  	_ =	shalt  }
0x82: {  	_ =	shalt  }
0x83: {  	_ =	shalt  }
0x84: {  	_ =	shalt  }
0x85: {  	_ =	shalt  }
0x86: {  	_ =	shalt  }
0x87: {  	_ =	shalt  }
.Lfunc_end0:
.L_simem_size_0:
called_computation.1_lowered:
.L_overlay_start_0:
0x88: {  	s2 =	sld [smem:$0x3FD9]  }
0x89: {  	s3 =	sld [smem:$0x3FFE];
	_ =	sdelay $0x1  }
0x8a: {  	s1 =	srdreg.scid  }
0x8b: {  	s0 =	sand.u32 $0x1, s1  }
0x8c: {  	s16 =	sshll.u32 s0, $0xA;
	s2 =	sadd.s32 s3, s2  }
0x8d: {  	s2 =	sadd.s32 s2, s16  }
0x8e: {  	[smem:$0x3FC5] =	sst s2  }
0x8f: {  	_ = 	snop  }
0x90: {  	(tm) =	ssettm $0x1  }
0x91: {  	s17 =	sld [smem:$0x3FFB];
	_ =	sdelay $0x3  }
0x92: {  	_ =	strace s17  }
0x93: {  	s2 =	sld [smem:$0x3FFC];
	_ =	sdelay $0x3  }
0x94: {  	_ =	strace s2  }
0x95: {  	s2 =	sld [smem:$0x3FFD];
	_ =	sdelay $0x3  }
0x96: {  	_ =	strace s2  }
0x97: {  	_ =	strace $0x8FFFFFFF  }
0x98: {  	s18 =	sld [smem:$0x3FDB];
	_ =	sdelay $0x1  }
0x99: {  	s19 =	simm.s32 $_scs_section_size  }
0x9a: {  	s4 =	simm.s32 $_size__tile_overlayer_lowered;
	s5 =	simm.s32 $_tile_overlayer_lowered  }
0x9b: {  	s22 =	simm.s32 $0x1BFF;
	s21 =	sshll.u32 s5, $0x1;
	s2 =	sadd.s32 s19, s18  }
0x9c: {  	s6 =	simm.s32 $0x0;
	s20 =	sshll.u32 s4, $0x1;
	s4 =	sadd.s32 s21, s2  }
0x9d: {  	[timem:s6], [sflag:s22] =	dma.local [hbm:s4], s20  }
0x9e: {  	_ =	swait.ge [sflag:s22], s20  }
0x9f: {  	s3 =	ssub.s32 $0x0, s20;
	[sflag:s22] =	ssyncset.done $0x0  }
0xa0: {  	[sflag:s22] =	ssyncadd.s32 s3;
	_ =	sdelay $0x1  }
0xa1: {  	s23 =	simm.s32 $0x1B8B  }
0xa2: {  	_ =	swait.ge [sflag:s23], $0x1  }
0xa3: {  	[sflag:s23] =	ssyncset.done $0x0  }
0xa4: {  	s25 =	simm.s32 $0x1B8E;
	s24 =	sld [smem:$0x3FFE];
	[sflag:s23] =	ssyncadd.s32 $0xFFFFFFFF  }
0xa5: {  	s26 =	simm.s32 $execute0_lowered;
	[smem:$0x3FD2] =	sst s25  }
0xa6: {  	s4 =	sshll.u32 s26, $0x1;
	_ =	strace $0x80000049;
	[dreg:$0x1] =	wrdreg $0xFFFFFFFF  }
0xa7: {  	s28 =	simm.s32 $_size_execute0_lowered;
	s2 =	sadd.s32 s2, s4;
	[dreg:$0x0] =	wrdreg $0x0  }
0xa8: {  	s4 =	sshll.u32 s28, $0x1;
	[dreg:$0x2] =	wrdreg s2  }
0xa9: {  	[dreg:$0x3] =	wrdreg s4  }
0xaa: {  	[dreg:$0x4] =	wrdreg $0xC0  }
0xab: {  	_ =	task [dreg:s6], $0x5FFFF  }
0xac: {  	[dreg:$0x1] =	wrdreg $0xFFFFFFFF  }
0xad: {  	[dreg:$0x0] =	wrdreg $0x60  }
0xae: {  	[dreg:$0x2] =	wrdreg s24  }
0xaf: {  	[dreg:$0x3] =	wrdreg $0x9  }
0xb0: {  	_ =	task.clear_ibuf [dreg:s6], $0x4FFFF;
	_ =	strace $0x90000049  }
0xb1: {  	s29 =	simm.s32 $0x9;
	_ =	strace $0x8000004B  }
0xb2: {  	_ =	swait.ge [sflag:s29], $0x1  }
0xb3: {  	[sflag:s29] =	ssyncadd.s32 $0xFFFFFFFF  }
0xb4: {  	_ =	strace $0x9000004B  }
0xb5: {  	_ =	sfence  }
0xb6: {  	s30 =	sld [smem:$0x0];
	_ =	sdelay $0x2  }
0xb7: {  	s31 =	sshll.u32 s1, $0xD;
	s1 =	sshrl.u32 s1, $0x2  }
0xb8: {  	s3 =	sand.u32 $0x4000, s31;
	s1 =	sadd.s32 s1, s30  }
0xb9: {  	s0 =	sor.u32 s3, s0;
	s1 =	sshll.u32 s1, $0x11  }
0xba: {  	s0 =	sor.u32 s1, s0  }
0xbb: {  	s0 =	sadd.s32 $0x8F2B, s0  }
0xbc: {  	[sflag:s0] =	ssyncadd.remote.s32 $0x1  }
0xbd: {  	_ =	sfence.sel $0xFFFF  }
0xbe: {  	[dreg:$0x0] =	wrdreg $0xFFFFFFFF;
	(pc) =	sbr.abs _section_cstart, $3  }
0xbf: {  	[dreg:$0x1] =	wrdreg $0xFFFFFFFF  }
0xc0: {  	_ =	task.clear_ibuf [dreg:s6], $0x2FFFF;
	_ =	strace $0x9FFFFFFF  }
0xc1: {  	(tm) =	ssettm $0x7FFFFFFF  }
tec
execute0_lowered:
.L_overlay_start_1:
0x0: {  	(tag) =	ssettag $0x1  }
0x1: {  	s7 =	rddreg [dreg:$0x0]  }
0x2: {  	s0 =	rddreg [dreg:$0x1];
	s2 =	simm.s32 $0x0;
	s3 =	srdreg.scid  }
0x3: {  	s1 =	stileid.u32;
	s12 =	simm.s32 $0x10C00;
	s13 =	simm.s32 $0x10000  }
0x4: {  	v0 =	vimm.s32 $0xFFEDCBA9;
	v1 =	vimm.s32 $0x87654321;
	s14 =	simm.s32 $0x10400;
	s15 =	simm.s32 $0x1;
	s16 =	simm.s32 $0x0  }
0x5: {  	[smem:$0x7FF] =	sst s2;
	s6 =	sand.u32 $0x1, s3;
	s3 =	sadd.s32 $0xA1200, s7;
	v0 =	vunpack.c.l.s4.s8 v0;
	v1 =	vunpack.c.l.s4.s8 v1  }
0x6: {  	s8 =	sshll.u32 s1, $0x1;
	s4 =	sadd.s32 $0x148A00, s7;
	s5 =	sadd.s32 $0x1F0200, s7  }
.Ltmp0:
0x7: {  	_ =	strace $0x8000004A;
	s9 =	sor.u32 s6, s8;
	v2 =	vunpack.c.0.s8.s32 v0;
	v1 =	vunpack.c.0.s8.s32 v1;
	(pc) =	sbr.rel .LBB2_1-.Ltmp0, $4  }
0x8: {  	s11 =	ssub.s32 $0x2, s6;
	s10 =	sshll.u32 s9, $0xD;
	s9 =	sand.u32 $0xF, s9  }
0x9: {  	s6 =	sadd.s32 $0x1F0600, s7;
	s31 =	sshrl.u32 s11, $0x1;
	v0 =	vlaneseq.u32;
	s10 =	sadd.s32 s10, s7;
	v3 =	vmov s9;
	v4 =	vcombine.low v1, v2  }
0xa: {  	vm1 =	vcmask $0x3F3C;
	s11 =	ssub.s32 s11, s31;
	s7 =	sand.u32 $0x10, s8;
	s8 =	sadd.s32 $0x1F0A00, s10;
	v1 =	vimm.f32 $-1.000000000e+00;
	vm0 =	veq.s32 v3, v0  }
0xb: {  	s9 =	smax.u32 s11, $0x1;
	s10 =	simm.s32 $0x10800;
	s11 =	simm.s32 $0x2;
	v2 =	vor.u32 $0x80000000, v0;
	v3 =	vor.u32 $0x80100000, v0;
	v4 =	vand.u32 $0xF, v4  }
.LBB2_12:
0xc: {  	s16 =	sadd.s32 $0x1, s16  }
0xd: {  	p0 =	sne.s32 s16, s9  }
.Ltmp1:
0xe: {  	_ = 	snop;
	(pc) =	sbr.rel @!p0 .LBB2_13-.Ltmp1, $1  }
0xf: {  	_ =	sdelay $0x3  }
.LBB2_1:
.Ltmp2:
0x10: {  	(pc) =	sbr.rel .LBB2_2-.Ltmp2, $2  }
0x11: {  	_ =	sdelay $0x2  }
0x12: {  	s17 =	simm.s32 $0x0  }
.LBB2_11:
0x13: {  	s18 =	sshll.u32 s17, $0x12;
	s17 =	sadd.s32 $0x1, s17  }
0x14: {  	p0 =	sne.s32 s17, $0x5  }
.Ltmp3:
0x15: {  	s18 =	sadd.s32 s18, s8;
	(pc) =	sbr.rel @!p0 .LBB2_12-.Ltmp3, $4  }
0x16: {  	[hbm4b:s18+s2] =	stream.linear.scatter [tilespmem:s2], [sflag:$0x2], $0x10000, $0x38;
	[tilespmem:$0x11000] =	vst v63  }
0x17: {  	_ =	swait.ge [sflag:s11], $0x10000  }
0x18: {  	[sflag:s11] =	ssyncset.done $0x0  }
0x19: {  	[sflag:s11] =	ssyncadd.s32 $0xFFFF0000  }
.LBB2_2:
0x1a: {  	s18 =	sshll.u32 s17, $0x7  }
0x1b: {  	s20 =	simm.s32 $0x0;
	s19 =	sadd.s32 s5, s18  }
0x1c: {  	[tilespmem:s10], [sflag:$0x2] =	stream.linear.gather [hbm4b:s19+s20], $0x400, $0x38;
	[tilespmem:$0x11000] =	vst v63  }
0x1d: {  	_ =	swait.ge [sflag:s11], $0x400  }
0x1e: {  	[sflag:s11] =	ssyncset.done $0x0  }
0x1f: {  	s18 =	sadd.s32 s6, s18;
	[sflag:s11] =	ssyncadd.s32 $0xFFFFFC00  }
0x20: {  	[tilespmem:s12], [sflag:$0x2] =	stream.linear.gather [hbm4b:s18+s20], $0x400, $0x38;
	[tilespmem:$0x11000] =	vst v63  }
0x21: {  	_ =	swait.ge [sflag:s11], $0x400  }
0x22: {  	[sflag:s11] =	ssyncset.done $0x0  }
0x23: {  	s19 =	simm.s32 $0x200;
	s18 =	simm.s32 $0x0;
	[sflag:s11] =	ssyncadd.s32 $0xFFFFFC00  }
.LBB2_3:
0x24: {  	p0 =	seq.s32 s19, $0x3FE00;
	[tilespmem:s18+$0x70] =	vst v1  }
0x25: {  	[tilespmem:s18+$0x0] =	vst v1  }
0x26: {  	[tilespmem:s18+$0x10] =	vst v1  }
.Ltmp4:
0x27: {  	[tilespmem:s18+$0x20] =	vst v1;
	(pc) =	sbr.rel @!p0 .LBB2_3-.Ltmp4, $4  }
0x28: {  	[tilespmem:s18+$0x30] =	vst v1  }
0x29: {  	[tilespmem:s18+$0x40] =	vst v1  }
0x2a: {  	[tilespmem:s18+$0x50] =	vst v1  }
0x2b: {  	[tilespmem:s18+$0x60] =	vst v1;
	s18 =	sshra.s32 s19, $0x2;
	s19 =	sadd.s32 $0x200, s19  }
0x2c: {  	[tilespmem:s18+$0x70] =	vst v1  }
0x2d: {  	[tilespmem:s18+$0x0] =	vst v1  }
0x2e: {  	[tilespmem:s18+$0x10] =	vst v1  }
.Ltmp5:
0x2f: {  	[tilespmem:s18+$0x20] =	vst v1;
	(pc) =	sbr.rel .LBB2_5-.Ltmp5, $4  }
0x30: {  	[tilespmem:s18+$0x30] =	vst v1  }
0x31: {  	[tilespmem:s18+$0x40] =	vst v1  }
0x32: {  	[tilespmem:s18+$0x50] =	vst v1  }
0x33: {  	[tilespmem:s18+$0x60] =	vst v1;
	s18 =	sshll.u32 s17, $0x5;
	s19 =	simm.s32 $0x0  }
.LBB2_10:
0x34: {  	s19 =	sadd.s32 $0x1, s19  }
0x35: {  	p0 =	sne.s32 s19, $0x20  }
.Ltmp6:
0x36: {  	_ = 	snop;
	(pc) =	sbr.rel @!p0 .LBB2_11-.Ltmp6, $1  }
0x37: {  	_ =	sdelay $0x3  }
.LBB2_5:
0x38: {  	s20 =	sshll.u32 s19, $0x5  }
0x39: {  	s20 =	sor.u32 s7, s20  }
0x3a: {  	v5 =	vld [tilespmem:s20+$0x10800]  }
0x3b: {  	v6 =	vld [tilespmem:s20+$0x10C00];
	_ =	sdelay $0x3  }
0x3c: {  	v5 =	vnsel vm0, $0x0, v5  }
0x3d: {  	(xrf0) =	vadd.scan.msk.s32 $0xffff, v5;
	v5 =	vnsel vm0, $0x0, v6  }
0x3e: {  	(xrf0) =	vadd.scan.msk.s32 $0xffff, v5;
	_ =	sdelay $0x4  }
0x3f: {  	v5, _, _ =	vpop (xrf0)  }
0x40: {  	(v2sf) =	vpush v5, $0xF;
	v5, _, _ =	vpop (xrf0)  }
0x41: {  	(v2sf) =	vpush v5, $0xF;
	_ =	sdelay $0xd  }
0x42: {  	s22 =	spop (v2sf)  }
0x43: {  	s20 =	spop (v2sf)  }
0x44: {  	s21 =	sadd.s32 $0x3FF, s20  }
0x45: {  	s21 =	sshra.s32 s21, $0xA  }
0x46: {  	p0 =	slt.s32 s21, $0x1  }
.Ltmp7:
0x47: {  	_ = 	snop;
	(pc) =	sbr.rel @p0 .LBB2_10-.Ltmp7, $1  }
0x48: {  	_ =	sdelay $0x3  }
0x49: {  	s23 =	sadd.s32 s18, s19  }
0x4a: {  	s23 =	smul.u32 $0x8600, s23;
	_ =	sdelay $0x1  }
0x4b: {  	s22 =	sadd.s32 s23, s22;
	s23 =	simm.s32 $0x0  }
.LBB2_7:
0x4c: {  	s24 =	sshll.u32 s23, $0xA  }
0x4d: {  	s24 =	sadd.s32 s24, s22  }
0x4e: {  	s25 =	sshrl.u32 s24, $0x3  }
0x4f: {  	s24 =	simm.s32 $0x0;
	s26 =	sadd.s32 s3, s25  }
0x50: {  	[tilespmem:s13], [sflag:$0x1] =	stream.linear.gather [hbm4b:s26+s24], $0x400, $0x38;
	[tilespmem:$0x11000] =	vst v63  }
0x51: {  	s25 =	sadd.s32 s4, s25  }
0x52: {  	[tilespmem:s14], [sflag:$0x1] =	stream.linear.gather [hbm4b:s25+s24], $0x400, $0x38;
	[tilespmem:$0x11000] =	vst v63  }
0x53: {  	_ =	swait.ge [sflag:s15], $0x400  }
0x54: {  	[sflag:s15] =	ssyncset.done $0x0  }
0x55: {  	[sflag:s15] =	ssyncadd.s32 $0xFFFFFC00  }
0x56: {  	_ =	swait.ge [sflag:s15], $0x400  }
0x57: {  	[sflag:s15] =	ssyncset.done $0x0  }
0x58: {  	s26 =	simm.s32 $0x10020;
	s25 =	simm.s32 $0x10420;
	[sflag:s15] =	ssyncadd.s32 $0xFFFFFC00  }
.LBB2_8:
0x59: {  	v5 =	vld [tilespmem:s26+$0xFFFFFFE0];
	_ =	sdelay $0x3  }
0x5a: {  	v6 =	vld [tilespmem:s25+$0xFFFFFFE0]  }
0x5b: {  	s28 =	sadd.s32 s24, s20;
	v5 =	vshll.u32 v5, $0x4  }
0x5c: {  	v7 =	vmov s28;
	v5 =	vand.u32 $0xFFFF0, v5  }
0x5d: {  	vm2 =	vgt.s32 v7, v0;
	v5 =	vor.u32 v2, v5  }
0x5e: {  	v5 =	vsel vm2, v5, v3  }
0x5f: {  	(xrf1) =	vsort.ascd.msk.u32 $0xffff, v5, v6;
	_ =	sdelay $0xd  }
0x60: {  	v5, v6, _ =	vpop (xrf1)  }
0x61: {  	v5 =	vshra.s32 v5, $0x4  }
0x62: {  	v5 =	vxor.u32 $0xF8000000, v5  }
0x63: {  	v7 =	vperm.xlane v5, v4;
	_ =	sdelay $0x1  }
0x64: {  	vm2 =	vne.s32 v5, v7  }
0x65: {  	vm3 =	vlt.s32 v5, $0x10000;
	vm2 =	vmor vm2, vm1  }
0x66: {  	vm2 =	vmand vm3, vm2;
	vm3 =	vlt.s32 v5, $0xFFFF  }
0x67: {  	v5 =	vnsel vm3, $0xFFFF, v5;
	_ =	sdelay $0x4  }
0x68: {  	[tilespmem:v5+s2+$0x0] =	vst.idx.msk vm2, v6  }
0x69: {  	v5 =	vld [tilespmem:s26+$0xFFFFFFF0];
	_ =	sdelay $0x3  }
0x6a: {  	v6 =	vld [tilespmem:s25+$0xFFFFFFF0]  }
0x6b: {  	s29 =	sadd.s32 $0xFFFFFFF0, s28;
	v5 =	vshll.u32 v5, $0x4  }
0x6c: {  	v7 =	vmov s29;
	v5 =	vand.u32 $0xFFFF0, v5  }
0x6d: {  	vm2 =	vgt.s32 v7, v0;
	v5 =	vor.u32 v2, v5  }
0x6e: {  	v5 =	vsel vm2, v5, v3  }
0x6f: {  	(xrf1) =	vsort.ascd.msk.u32 $0xffff, v5, v6;
	_ =	sdelay $0xd  }
0x70: {  	v5, v6, _ =	vpop (xrf1)  }
0x71: {  	v5 =	vshra.s32 v5, $0x4  }
0x72: {  	v5 =	vxor.u32 $0xF8000000, v5  }
0x73: {  	v7 =	vperm.xlane v5, v4;
	_ =	sdelay $0x1  }
0x74: {  	vm2 =	vne.s32 v5, v7  }
0x75: {  	vm3 =	vlt.s32 v5, $0x10000;
	vm2 =	vmor vm2, vm1  }
0x76: {  	vm2 =	vmand vm3, vm2;
	vm3 =	vlt.s32 v5, $0xFFFF  }
0x77: {  	v5 =	vnsel vm3, $0xFFFF, v5;
	_ =	sdelay $0x4  }
0x78: {  	[tilespmem:v5+s2+$0x0] =	vst.idx.msk vm2, v6  }
0x79: {  	v5 =	vld [tilespmem:s26+$0x0];
	_ =	sdelay $0x3  }
0x7a: {  	v6 =	vld [tilespmem:s25+$0x0]  }
0x7b: {  	s31 =	sadd.s32 $0xFFFFFFE0, s28;
	v5 =	vshll.u32 v5, $0x4  }
0x7c: {  	v7 =	vmov s31;
	v5 =	vand.u32 $0xFFFF0, v5  }
0x7d: {  	vm2 =	vgt.s32 v7, v0;
	v5 =	vor.u32 v2, v5  }
0x7e: {  	v5 =	vsel vm2, v5, v3  }
0x7f: {  	(xrf1) =	vsort.ascd.msk.u32 $0xffff, v5, v6;
	_ =	sdelay $0xd  }
0x80: {  	v5, v6, _ =	vpop (xrf1)  }
0x81: {  	v5 =	vshra.s32 v5, $0x4  }
0x82: {  	v5 =	vxor.u32 $0xF8000000, v5  }
0x83: {  	v7 =	vperm.xlane v5, v4;
	_ =	sdelay $0x1  }
0x84: {  	vm2 =	vne.s32 v5, v7  }
0x85: {  	vm3 =	vlt.s32 v5, $0x10000;
	vm2 =	vmor vm2, vm1  }
0x86: {  	vm2 =	vmand vm3, vm2;
	vm3 =	vlt.s32 v5, $0xFFFF  }
0x87: {  	v5 =	vnsel vm3, $0xFFFF, v5;
	_ =	sdelay $0x4  }
0x88: {  	[tilespmem:v5+s2+$0x0] =	vst.idx.msk vm2, v6  }
0x89: {  	v5 =	vld [tilespmem:s26+$0x10];
	_ =	sdelay $0x3  }
0x8a: {  	v6 =	vld [tilespmem:s25+$0x10]  }
0x8b: {  	s28 =	sadd.s32 $0xFFFFFFD0, s28;
	v5 =	vshll.u32 v5, $0x4  }
0x8c: {  	v7 =	vmov s28;
	v5 =	vand.u32 $0xFFFF0, v5  }
0x8d: {  	vm2 =	vgt.s32 v7, v0;
	v5 =	vor.u32 v2, v5  }
0x8e: {  	v5 =	vsel vm2, v5, v3  }
0x8f: {  	(xrf1) =	vsort.ascd.msk.u32 $0xffff, v5, v6;
	_ =	sdelay $0xd  }
0x90: {  	v5, v6, _ =	vpop (xrf1)  }
0x91: {  	v5 =	vshra.s32 v5, $0x4  }
0x92: {  	v5 =	vxor.u32 $0xF8000000, v5  }
0x93: {  	v7 =	vperm.xlane v5, v4;
	_ =	sdelay $0x1  }
0x94: {  	vm2 =	vne.s32 v5, v7  }
0x95: {  	vm3 =	vlt.s32 v5, $0x10000;
	vm2 =	vmor vm2, vm1  }
0x96: {  	vm2 =	vmand vm3, vm2;
	vm3 =	vlt.s32 v5, $0xFFFF  }
0x97: {  	p0 =	sne.s32 s24, $0xFFFFFC40;
	v5 =	vnsel vm3, $0xFFFF, v5  }
.Ltmp8:
0x98: {  	_ = 	snop;
	(pc) =	sbr.rel @p0 .LBB2_8-.Ltmp8, $2  }
0x99: {  	_ =	sdelay $0x2  }
0x9a: {  	s24 =	sadd.s32 $0xFFFFFFC0, s24;
	s25 =	sadd.s32 $0x40, s25;
	s26 =	sadd.s32 $0x40, s26;
	[tilespmem:v5+s2+$0x0] =	vst.idx.msk vm2, v6  }
0x9b: {  	s23 =	sadd.s32 $0x1, s23  }
0x9c: {  	p0 =	sne.s32 s23, s21  }
.Ltmp9:
0x9d: {  	_ = 	snop;
	(pc) =	sbr.rel @p0 .LBB2_7-.Ltmp9, $4  }
.Ltmp10:
0x9e: {  	_ = 	snop;
	(pc) =	sbr.rel @!p0 .LBB2_10-.Ltmp10, $4  }
0x9f: {  	_ = 	snop  }
0xa0: {  	_ = 	snop  }
0xa1: {  	s20 =	sadd.s32 $0xFFFFFC00, s20  }
0xa2: {  	_ = 	snop  }
.LBB2_13:
0xa3: {  	_ =	sfence.sel $0x180000  }
0xa4: {  	[bflag:$0x0] =	sbarrier.arrive $0xFFFF  }
0xa5: {  	p0 =	sne.s32 s1, $0x0;
	_ =	strace $0x9000004A  }
0xa6: {  	s0 =	sadd.s32 @!p0 $0x100000, s0;
	[bflag:$0x2] =	sbarrier.arrive $0xFFFF  }
0xa7: {  	[sflag:s0] =	ssyncadd.tile.s32 @!p0 $0x1;
	_ =	shalt  }
.Lfunc_end2:
_tile_overlayer_lowered:
.L_overlay_start_2:
0xa8: {  	(tag) =	ssettag $0x2  }
0xa9: {  	s0 =	rddreg [dreg:$0x0];
	s2 =	stileid.u32  }
0xaa: {  	s1 =	rddreg [dreg:$0x1];
	p0 =	sne.s32 s2, $0x0  }
0xab: {  	s3 =	rddreg [dreg:$0x2];
	[bflag:$0x3] =	sbarrier.arrive $0xFFFF;
	s2 =	simm.s32 @!p0 $0x1C02  }
0xac: {  	[timem:s3], [sflag:s2] =	dma.local @!p0 [hbm:s0], s1  }
0xad: {  	s0 =	simm.s32 @!p0 $0x2  }
0xae: {  	_ =	swait.ge @!p0 [sflag:s0], s1  }
0xaf: {  	s1 =	ssub.s32 @!p0 $0x0, s1;
	[sflag:s0] =	ssyncset.done @!p0 $0x0  }
0xb0: {  	[sflag:s0] =	ssyncadd.s32 @!p0 s1  }
0xb1: {  	[bflag:$0x3] =	sbarrier.arrive $0xFFFF  }
0xb2: {  	_ =	shalt  }

</sc_bundles>
